<compile_context>
chip_gen: v7x
topology: tpu7x:2x2x1
jax: 0.10.2.dev20260603
libtpu: 0.0.44.dev20260713+nightly
codegen_flags: <defaults>
</compile_context>

<pallas_src>
import functools

import jax
import jax.numpy as jnp
from jax import lax
from jax.experimental import pallas as pl
from jax.experimental.pallas import tpu as pltpu
from jax.experimental.pallas import tpu_sc as plsc

POOLED = 7
SCALE = 0.0625
MIN_SIZE = 16.0
NEG = -1e30
WIN = 16
NUM_WORKERS = 32
CGRP = 16


def _anchor_body(blk_ref, rois_ref, scal_ref, cx1_ref, cy1_ref, cx2_ref,
                 cy2_ref, r0_ref, r1_ref, *, H, W):
    f32 = jnp.float32
    i32 = jnp.int32
    blk = blk_ref[...]
    rois = rois_ref[...]
    N = rois.shape[0]
    hh = scal_ref[0, 0]
    hw = scal_ref[0, 1]
    x1 = blk[:, 1:2]
    y1 = blk[:, 2:3]
    x2 = blk[:, 3:4]
    y2 = blk[:, 4:5]
    w = x2 - x1
    h = y2 - y1
    ci = lax.broadcasted_iota(i32, (1, 8), 1)
    ci = jnp.where(ci >= 4, ci + 1, ci)
    ix = (ci % 3).astype(f32)
    iy = (ci // 3).astype(f32)
    sx = x1 - w + w * ix + w / 2.0
    sy = y1 - h + h * iy + h / 2.0
    gx1 = sx - w / 4.0
    gy1 = sy - h / 4.0
    gx2 = sx + w / 4.0
    gy2 = sy + h / 4.0
    ww = gx2 - gx1 + 1.0
    hhh = gy2 - gy1 + 1.0
    keep = ((gx1 < 0) | (gy1 < 0) | (gx2 >= hw) | (gy2 >= hh)
            | (ww < MIN_SIZE) | (hhh < MIN_SIZE))
    gx1 = jnp.where(keep, x1, gx1)
    gy1 = jnp.where(keep, y1, gy1)
    gx2 = jnp.where(keep, x2, gx2)
    gy2 = jnp.where(keep, y2, gy2)

    ax1 = rois[:, 1].reshape(1, 1, N)
    ay1 = rois[:, 2].reshape(1, 1, N)
    ax2 = rois[:, 3].reshape(1, 1, N)
    ay2 = rois[:, 4].reshape(1, 1, N)
    an_w = ax2 - ax1 + 1.0
    an_h = ay2 - ay1 + 1.0
    an_area = an_w * an_h
    g1 = gx1[:, :, None]
    g2 = gy1[:, :, None]
    g3 = gx2[:, :, None]
    g4 = gy2[:, :, None]
    gt_w = gx2 - gx1 + 1.0
    gt_h = gy2 - gy1 + 1.0
    gt_area = (gt_w * gt_h)[:, :, None]
    iw = jnp.maximum(jnp.minimum(ax2, g3) - jnp.maximum(ax1, g1) + 1.0, 0.0)
    ih = jnp.maximum(jnp.minimum(ay2, g4) - jnp.maximum(ay1, g2) + 1.0, 0.0)
    inter = iw * ih
    ua = an_area + gt_area - inter
    ov = inter / ua
    gt_zero = ((gt_w == 1.0) & (gt_h == 1.0)).astype(f32)[:, :, None]
    an_zero = (an_w == 1.0) & (an_h == 1.0)
    ov = jnp.where(gt_zero == 1.0, 0.0, ov)
    ov = jnp.where(an_zero, -1.0, ov)

    BN = blk.shape[0]
    gt_max = jnp.max(ov, axis=2)
    niota = lax.broadcasted_iota(i32, (BN, 8, N), 2)
    amax1 = jnp.min(jnp.where(ov == gt_max[:, :, None], niota, 2 * N), axis=2)
    onehot = (niota == amax1[:, :, None]).astype(f32)
    selx1 = jnp.sum(onehot * ax1, axis=2)
    sely1 = jnp.sum(onehot * ay1, axis=2)
    selx2 = jnp.sum(onehot * ax2, axis=2)
    sely2 = jnp.sum(onehot * ay2, axis=2)

    gt_max_adj = jnp.where(gt_max == 0.0, 1e-5, gt_max)
    labels = jnp.where(gt_max_adj >= 0.3, 1.0, 0.0)
    wcell = gx2 - gx1
    hcell = gy2 - gy1
    maxc = jnp.maximum(wcell, hcell)
    minc = jnp.minimum(wcell, hcell)
    pos = labels == 1.0
    wsel = selx2 - selx1
    hsel = sely2 - sely1
    width = jnp.where(pos, wsel, 0.0)
    height = jnp.where(pos, hsel, 0.0)
    mx = jnp.maximum(width, height)
    mn = jnp.minimum(width, height)
    labels = jnp.where(mx >= maxc, 0.0, labels)
    labels = jnp.where(mn < (1.0 / 3.0) * minc, 0.0, labels)
    pos2 = labels == 1.0
    gx1 = jnp.where(pos2, selx1, gx1)
    gy1 = jnp.where(pos2, sely1, gy1)
    gx2 = jnp.where(pos2, selx2, gx2)
    gy2 = jnp.where(pos2, sely2, gy2)

    cx1 = jnp.concatenate([x1, gx1], axis=1)
    cy1 = jnp.concatenate([y1, gy1], axis=1)
    cx2 = jnp.concatenate([x2, gx2], axis=1)
    cy2 = jnp.concatenate([y2, gy2], axis=1)
    cx1_ref[...] = cx1
    cy1_ref[...] = cy1
    cx2_ref[...] = cx2
    cy2_ref[...] = cy2

    x1c = jnp.round(cx1 * SCALE).astype(i32)
    y1c = jnp.round(cy1 * SCALE).astype(i32)
    x2c = jnp.round(cx2 * SCALE).astype(i32)
    y2c = jnp.round(cy2 * SCALE).astype(i32)
    roi_w = jnp.maximum(x2c - x1c + 1, 1).astype(f32)
    roi_h = jnp.maximum(y2c - y1c + 1, 1).astype(f32)
    bwf = (roi_w / float(POOLED))[:, :, None]
    bhf = (roi_h / float(POOLED))[:, :, None]
    ib = lax.broadcasted_iota(i32, (BN, 9, POOLED), 2).astype(f32)
    y1e = y1c[:, :, None]
    x1e = x1c[:, :, None]
    hs = jnp.clip(jnp.floor(ib * bhf).astype(i32) + y1e, 0, H)
    he = jnp.clip(jnp.ceil((ib + 1.0) * bhf).astype(i32) + y1e, 0, H)
    ws = jnp.clip(jnp.floor(ib * bwf).astype(i32) + x1e, 0, W)
    we = jnp.clip(jnp.ceil((ib + 1.0) * bwf).astype(i32) + x1e, 0, W)
    hc = jnp.minimum(y1c, H - WIN)[:, :, None]
    wc = jnp.minimum(x1c, W - WIN)[:, :, None]
    zz = jnp.zeros((BN, 9, 1), i32)
    r0_ref[...] = jnp.concatenate([hs, he, hc, zz], axis=2)
    r1_ref[...] = jnp.concatenate([ws, we, wc, zz], axis=2)




def _make_sc_pool(n_rois, H, W, C):
    per_w = n_rois // NUM_WORKERS
    mesh = plsc.VectorSubcoreMesh(core_axis_name="c", subcore_axis_name="s")
    nbins = POOLED * POOLED

    HGRP = CGRP // 2

    @functools.partial(
        pl.kernel,
        out_type=jax.ShapeDtypeStruct((nbins, n_rois, CGRP, 16), jnp.float32),
        mesh=mesh,
        compiler_params=pltpu.CompilerParams(needs_layout_passes=False,
                                             use_tc_tiling_on_sc=False),
        scratch_types=[
            pltpu.VMEM((WIN, WIN, HGRP, 16), jnp.float32),
            pltpu.VMEM((WIN, WIN, HGRP, 16), jnp.float32),
            pltpu.VMEM((per_w * 16 + 16,), jnp.int32),
            pltpu.VMEM((per_w * 16 + 16,), jnp.int32),
            pltpu.VMEM((nbins, CGRP, 16), jnp.float32),
            pltpu.SemaphoreType.DMA,
            pltpu.SemaphoreType.DMA,
        ],
    )
    def sc_pool(feat_hbm, r0_hbm, r1_hbm, out_hbm, bufa, bufb, b0, b1, obuf,
                sema, semb):
        wid = lax.axis_index("s") * 2 + lax.axis_index("c")
        base = wid * per_w
        pltpu.sync_copy(r0_hbm.at[pl.ds(base * 16, per_w * 16)],
                        b0.at[pl.ds(0, per_w * 16)])
        pltpu.sync_copy(r1_hbm.at[pl.ds(base * 16, per_w * 16)],
                        b1.at[pl.ds(0, per_w * 16)])

        def _at(ref, off):
            return ref[pl.ds(off, 16)][0]

        def _half(hc, wc, h):
            return feat_hbm.at[pl.ds(hc, WIN), pl.ds(wc, WIN),
                               pl.ds(h * HGRP, HGRP)]

        hc0 = _at(b0, 14)
        wc0 = _at(b1, 14)
        pltpu.async_copy(_half(hc0, wc0, 0), bufa, sema)

        def roi_body(rl, carry):
            rb = rl * 16
            hc = _at(b0, rb + 14)
            wc = _at(b1, rb + 14)
            rn = jnp.minimum(rl + 1, per_w - 1) * 16
            hcn = _at(b0, rn + 14)
            wcn = _at(b1, rn + 14)

            for h in range(2):
                buf, sem = (bufa, sema) if h == 0 else (bufb, semb)
                pltpu.make_async_copy(_half(hc, wc, h), buf, sem).wait()
                if h == 0:
                    pltpu.async_copy(_half(hc, wc, 1), bufb, semb)
                else:
                    pltpu.async_copy(_half(hcn, wcn, 0), bufa, sema)

                def bin_i(i, c0):
                    hs = _at(b0, rb + i) - hc
                    he = _at(b0, rb + i + POOLED) - hc

                    def bin_j(j, c1):
                        ws = _at(b1, rb + j) - wc
                        we = _at(b1, rb + j + POOLED) - wc

                        def row_red(r, acc):
                            def col_red(t, acc2):
                                return tuple(
                                    jnp.maximum(acc2[g], buf[r, t, g, :])
                                    for g in range(HGRP))
                            return lax.fori_loop(ws, we, col_red, acc)

                        acc0 = tuple(jnp.full((16,), NEG, jnp.float32)
                                     for _ in range(HGRP))
                        acc = lax.fori_loop(hs, he, row_red, acc0)
                        empty = (we <= ws) | (he <= hs)
                        k = i * POOLED + j
                        for g in range(HGRP):
                            obuf[k, h * HGRP + g, :] = jnp.where(
                                empty, 0.0, acc[g])
                        return c1

                    return lax.fori_loop(0, POOLED, bin_j, c0)

                lax.fori_loop(0, POOLED, bin_i, 0)

            pltpu.sync_copy(obuf, out_hbm.at[:, base + rl])
            return carry

        lax.fori_loop(0, per_w, roi_body, 0)
        pltpu.make_async_copy(_half(0, 0, 0), bufa, sema).wait()

    return sc_pool


def kernel(features, rois, hh, hw):
    B, C, H, W = features.shape
    N = rois.shape[0]
    f32 = jnp.float32
    scal = jnp.stack([jnp.asarray(hh, f32),
                      jnp.asarray(hw, f32)]).reshape(1, 2)
    body = functools.partial(_anchor_body, H=H, W=W)
    BN = 16
    grid = N // BN
    cx1, cy1, cx2, cy2, r0, r1 = pl.pallas_call(
        body,
        grid=(grid,),
        out_shape=[
            jax.ShapeDtypeStruct((N, 9), f32),
            jax.ShapeDtypeStruct((N, 9), f32),
            jax.ShapeDtypeStruct((N, 9), f32),
            jax.ShapeDtypeStruct((N, 9), f32),
            jax.ShapeDtypeStruct((N, 9, 16), jnp.int32),
            jax.ShapeDtypeStruct((N, 9, 16), jnp.int32),
        ],
        in_specs=[
            pl.BlockSpec((BN, 5), lambda i: (i, 0)),
            pl.BlockSpec((N, 5), lambda i: (0, 0)),
            pl.BlockSpec((1, 2), lambda i: (0, 0),
                         memory_space=pltpu.SMEM),
        ],
        out_specs=[
            pl.BlockSpec((BN, 9), lambda i: (i, 0)),
            pl.BlockSpec((BN, 9), lambda i: (i, 0)),
            pl.BlockSpec((BN, 9), lambda i: (i, 0)),
            pl.BlockSpec((BN, 9), lambda i: (i, 0)),
            pl.BlockSpec((BN, 9, 16), lambda i: (i, 0, 0)),
            pl.BlockSpec((BN, 9, 16), lambda i: (i, 0, 0)),
        ],
    )(rois, rois, scal)

    catb = jnp.concatenate([rois[:, :1], jnp.zeros((N, 8), f32)], axis=1)
    cat_rois = jnp.stack([catb, cx1, cy1, cx2, cy2], axis=-1).reshape(-1, 5)

    featT = jnp.transpose(features[0], (1, 2, 0)).reshape(H, W, CGRP, 16)
    n_rois = 9 * N
    sc_pool = _make_sc_pool(n_rois, H, W, C)
    pooled = sc_pool(featT, r0.reshape(n_rois * 16), r1.reshape(n_rois * 16))
    pool_feat = pooled.reshape(POOLED, POOLED, N, 9 * C).transpose(2, 3, 0, 1)
    return (pool_feat, cat_rois)

# --- scband reference (transcript-rebuilt; emitter-appended) ---
"""Pipeline reference for scband-ro-ipooling-47983374630956 (READ-ONLY COPY).

The authoritative reference and input builder live on the scoring server;
editing this copy changes nothing except your own understanding.
"""

import jax, jax.numpy as jnp
import numpy as np

POOLED_H = 7
POOLED_W = 7
SPATIAL_SCALE = 0.0625
MIN_SIZE = 16.0


def bbox_overlaps_batch(anchors, gt_boxes):
    # standard faster-rcnn bbox_overlaps_batch (anchors [N,4], gt_boxes [b,K,4]) -> [b,N,K]
    batch_size = gt_boxes.shape[0]
    N = anchors.shape[0]
    anchors_e = jnp.broadcast_to(anchors[None, :, :], (batch_size, N, 4))
    gt = gt_boxes[:, :, :4]
    gt_x = gt[:, :, 2] - gt[:, :, 0] + 1.0
    gt_y = gt[:, :, 3] - gt[:, :, 1] + 1.0
    gt_area = (gt_x * gt_y)[:, None, :]
    an_x = anchors_e[:, :, 2] - anchors_e[:, :, 0] + 1.0
    an_y = anchors_e[:, :, 3] - anchors_e[:, :, 1] + 1.0
    an_area = (an_x * an_y)[:, :, None]
    gt_zero = ((gt_x == 1.0) & (gt_y == 1.0))[:, None, :]
    an_zero = ((an_x == 1.0) & (an_y == 1.0))[:, :, None]
    boxes = anchors_e[:, :, None, :]
    qb = gt[:, None, :, :]
    iw = jnp.minimum(boxes[..., 2], qb[..., 2]) - jnp.maximum(boxes[..., 0], qb[..., 0]) + 1.0
    iw = jnp.maximum(iw, 0.0)
    ih = jnp.minimum(boxes[..., 3], qb[..., 3]) - jnp.maximum(boxes[..., 1], qb[..., 1]) + 1.0
    ih = jnp.maximum(ih, 0.0)
    inter = iw * ih
    ua = an_area + gt_area - inter
    overlaps = inter / ua
    overlaps = jnp.where(jnp.broadcast_to(gt_zero, overlaps.shape), 0.0, overlaps)
    overlaps = jnp.where(jnp.broadcast_to(an_zero, overlaps.shape), -1.0, overlaps)
    return overlaps


def context_anchor(rois, features, hh, hw):
    batch_size = features.shape[0]
    x1 = rois[:, 1:2]
    y1 = rois[:, 2:3]
    x2 = rois[:, 3:4]
    y2 = rois[:, 4:5]
    _w = x2 - x1
    _h = y2 - y1
    ar = jnp.arange(3, dtype=rois.dtype)
    shift_x = x1 - _w + _w * ar + _w / 2.0  # [N,3]
    shift_y = y1 - _h + _h * ar + _h / 2.0  # [N,3]
    offset = jnp.concatenate([-_w / 4.0, -_h / 4.0, _w / 4.0, _h / 4.0], axis=1)  # [N,4]
    # vectorized meshgrid('xy') raveled: xx = [x0,x1,x2]*3, yy = [y0,y0,y0,y1,y1,y1,y2,y2,y2]
    xx = jnp.tile(shift_x, (1, 3))          # [N,9]
    yy = jnp.repeat(shift_y, 3, axis=1)     # [N,9]
    shifts = jnp.stack([xx, yy, xx, yy], axis=-1)  # [N,9,4]
    gti = offset[:, None, :] + shifts
    ww = gti[..., 2] - gti[..., 0] + 1.0
    hhh = gti[..., 3] - gti[..., 1] + 1.0
    keep = (gti[..., 0] < 0) | (gti[..., 1] < 0) | (gti[..., 2] >= hw) | (gti[..., 3] >= hh) | (ww < MIN_SIZE) | (hhh < MIN_SIZE)
    gti = jnp.where(keep[..., None], rois[:, None, 1:5], gti)
    gt = jnp.concatenate([gti[:, :4, :], gti[:, 5:, :]], axis=1)  # drop center cell -> [N,8,4]
    gt = gt.reshape(batch_size, -1, 4)  # [b, N*8, 4]
    all_anchors = rois[:, 1:5]
    overlaps = bbox_overlaps_batch(all_anchors, gt)  # [b, N, K]
    max_overlaps = overlaps.max(axis=2)
    argmax_overlaps = overlaps.argmax(axis=2)  # computed in original, unused
    gt_max_overlaps = overlaps.max(axis=1)     # [b, K]
    amax1 = overlaps.argmax(axis=1)            # '_' in original
    labels = jnp.zeros((batch_size, gt.shape[1]), dtype=gt.dtype)
    gt_max_overlaps = jnp.where(gt_max_overlaps == 0.0, 1e-05, gt_max_overlaps)
    _keep2 = (overlaps == gt_max_overlaps[:, None, :]).sum(axis=2)  # dead code in original, kept
    width_cell = gt[:, :, 2] - gt[:, :, 0]
    height_cell = gt[:, :, 3] - gt[:, :, 1]
    max_cell = jnp.maximum(width_cell, height_cell)
    min_cell = jnp.minimum(width_cell, height_cell)
    labels = jnp.where(gt_max_overlaps >= 0.3, 1.0, labels)
    pos = labels == 1.0
    sel = rois[amax1.reshape(-1)].reshape(batch_size, -1, 5)
    w_sel = sel[:, :, 3] - sel[:, :, 1]
    h_sel = sel[:, :, 4] - sel[:, :, 2]
    width = jnp.where(pos, w_sel, 0.0)
    height = jnp.where(pos, h_sel, 0.0)
    mx = jnp.maximum(width, height)
    mn = jnp.minimum(width, height)
    labels = jnp.where(mx >= max_cell, 0.0, labels)
    labels = jnp.where(mn < (1.0 / 3.0) * min_cell, 0.0, labels)
    pos2 = (labels == 1.0)[..., None]
    gt = jnp.where(pos2, sel[:, :, 1:5], gt)
    labels = jnp.zeros_like(labels)  # labels[:] = 0 in original
    gt = jnp.concatenate([labels[..., None], gt], axis=-1)  # [b, N*8, 5]
    return gt


def roi_pool(features, rois, ph, pw, scale):
    B, C, H, W = features.shape
    hidx = jnp.arange(H)
    widx = jnp.arange(W)
    ib = jnp.arange(ph, dtype=jnp.float32)
    jb = jnp.arange(pw, dtype=jnp.float32)
    NEG = jnp.float32(-1e30)

    def pool_one(roi):
        b = jnp.round(roi[0]).astype(jnp.int32)
        x1 = jnp.round(roi[1] * scale).astype(jnp.int32)
        y1 = jnp.round(roi[2] * scale).astype(jnp.int32)
        x2 = jnp.round(roi[3] * scale).astype(jnp.int32)
        y2 = jnp.round(roi[4] * scale).astype(jnp.int32)
        roi_w = jnp.maximum(x2 - x1 + 1, 1).astype(jnp.float32)
        roi_h = jnp.maximum(y2 - y1 + 1, 1).astype(jnp.float32)
        bin_w = roi_w / pw
        bin_h = roi_h / ph
        hs = jnp.clip(jnp.floor(ib * bin_h).astype(jnp.int32) + y1, 0, H)
        he = jnp.clip(jnp.ceil((ib + 1.0) * bin_h).astype(jnp.int32) + y1, 0, H)
        ws = jnp.clip(jnp.floor(jb * bin_w).astype(jnp.int32) + x1, 0, W)
        we = jnp.clip(jnp.ceil((jb + 1.0) * bin_w).astype(jnp.int32) + x1, 0, W)
        m_h = (hidx[None, :] >= hs[:, None]) & (hidx[None, :] < he[:, None])  # [ph,H]
        m_w = (widx[None, :] >= ws[:, None]) & (widx[None, :] < we[:, None])  # [pw,W]
        x = jnp.take(features, b, axis=0)  # [C,H,W]
        t = jnp.where(m_h[None, :, :, None], x[:, None, :, :], NEG).max(axis=2)   # [C,ph,W]
        out = jnp.where(m_w[None, None, :, :], t[:, :, None, :], NEG).max(axis=3)  # [C,ph,pw]
        empty = (~m_h.any(axis=1))[:, None] | (~m_w.any(axis=1))[None, :]
        out = jnp.where(empty[None, :, :], 0.0, out)
        return out

    return jax.lax.map(pool_one, rois)


def setup_inputs(seed: int = 0) -> dict:
    key = jax.random.key(seed)
    k1, k2, k3, k4, k5 = jax.random.split(key, 5)
    N = 128
    hh = 600
    hw = 800
    features = jax.random.normal(k1, (1, 256, 38, 50), dtype=jnp.float32)
    x1 = jax.random.uniform(k2, (N,), minval=0.0, maxval=hw - 80.0)
    y1 = jax.random.uniform(k3, (N,), minval=0.0, maxval=hh - 80.0)
    bw = jax.random.uniform(k4, (N,), minval=48.0, maxval=240.0)
    bh = jax.random.uniform(k5, (N,), minval=48.0, maxval=240.0)
    x2 = jnp.minimum(x1 + bw, hw - 1.0)
    y2 = jnp.minimum(y1 + bh, hh - 1.0)
    rois = jnp.stack([jnp.zeros((N,)), x1, y1, x2, y2], axis=1).astype(jnp.float32)
    return {"features": features, "rois": rois, "hh": hh, "hw": hw}


def reference(features, rois, hh, hw):
    gt_anchors = context_anchor(rois, features, hh, hw).reshape(-1, 8, 5)
    cat_rois = jnp.concatenate([rois.reshape(-1, 1, 5), gt_anchors], axis=1).reshape(-1, 5)
    pooled = roi_pool(features, cat_rois, POOLED_H, POOLED_W, SPATIAL_SCALE)  # [9N, C, ph, pw]
    pool_feat = pooled.reshape(rois.shape[0], -1, POOLED_W, POOLED_H)
    return (pool_feat, cat_rois)

if __name__ == "__main__":
    import jax
    _d = setup_inputs()
    print(jax.jit(kernel)(*tuple(_d.values())))

</pallas_src>

<mosaic_0001>
#map = affine_map<(d0, d1) -> (0, 0, 0, 0)>
#map1 = affine_map<(d0, d1) -> (0)>
module attributes {stable_mosaic.version = 14 : i64} {
  func.func @sc_pool(%arg0: i32, %arg1: i32, %arg2: memref<38x50x16x16xf32, #tpu.memory_space<hbm>>, %arg3: memref<18432xi32, #tpu.memory_space<hbm>>, %arg4: memref<18432xi32, #tpu.memory_space<hbm>>, %arg5: memref<49x1152x16x16xf32, #tpu.memory_space<hbm>>, %arg6: memref<16x16x8x16xf32, #tpu.memory_space<vmem>>, %arg7: memref<16x16x8x16xf32, #tpu.memory_space<vmem>>, %arg8: memref<592xi32, #tpu.memory_space<vmem>>, %arg9: memref<592xi32, #tpu.memory_space<vmem>>, %arg10: memref<49x16x16xf32, #tpu.memory_space<vmem>>, %arg11: memref<!tpu.dma_semaphore, #tpu.memory_space<semaphore_mem>>, %arg12: memref<!tpu.dma_semaphore, #tpu.memory_space<semaphore_mem>>) attributes {dimension_semantics = [#tpu.dimension_semantics<core_parallel>, #tpu.dimension_semantics<subcore_parallel>], iteration_bounds = array<i64: 2, 16>, scalar_prefetch = 0 : i64, scratch_operands = 7 : i64, tpu.core_type = #tpu.core_type<sc_vector_subcore>, window_params = [{transform_indices = #map}, {transform_indices = #map1}, {transform_indices = #map1}, {transform_indices = #map}]} {
    %mul3A = arith.constant 2 : i32
    %mul3A_0 = arith.muli %arg1, %mul3A : i32
    %add3A = arith.addi %mul3A_0, %arg0 : i32
    %mul3A_1 = arith.constant 36 : i32
    %mul3A_2 = arith.muli %add3A, %mul3A_1 : i32
    %mul3A_3 = arith.constant 16 : i32
    %mul3A_4 = arith.muli %mul3A_2, %mul3A_3 : i32
    "tpu.region"() ({
      %run_scoped3A = tpu.sem_alloc : memref<!tpu.dma_semaphore, #tpu.memory_space<semaphore_mem>>
      %dma_start3A_31 = arith.constant 0 : i32
      %dma_start3A_32 = tpu.memref_slice %arg8[%dma_start3A_31] : memref<592xi32, #tpu.memory_space<vmem>> -> memref<576xi32, #tpu.memory_space<vmem>>
      %dma_start3A_33 = tpu.memref_slice %arg3[%mul3A_4] : memref<18432xi32, #tpu.memory_space<hbm>> -> memref<576xi32, #tpu.memory_space<hbm>>
      %dma_start3A_34 = arith.constant 0 : i32
      %dma_start3A_35 = tpu.memref_slice %arg8[%dma_start3A_34] : memref<592xi32, #tpu.memory_space<vmem>> -> memref<576xi32, #tpu.memory_space<vmem>>
      %dma_start3A_36 = tpu.memref_slice %arg3[%mul3A_4] : memref<18432xi32, #tpu.memory_space<hbm>> -> memref<576xi32, #tpu.memory_space<hbm>>
      tpu.enqueue_dma source(%dma_start3A_36 : memref<576xi32, #tpu.memory_space<hbm>>) target(%dma_start3A_35 : memref<576xi32, #tpu.memory_space<vmem>>) target_semaphore(%run_scoped3A : memref<!tpu.dma_semaphore, #tpu.memory_space<semaphore_mem>>)
      %dma_wait3A_37 = arith.constant 0 : i32
      %dma_wait3A_38 = tpu.memref_slice %arg8[%dma_wait3A_37] : memref<592xi32, #tpu.memory_space<vmem>> -> memref<576xi32, #tpu.memory_space<vmem>>
      %dma_wait3A_39 = tpu.memref_slice %arg3[%mul3A_4] : memref<18432xi32, #tpu.memory_space<hbm>> -> memref<576xi32, #tpu.memory_space<hbm>>
      %dma_wait3A_40 = arith.constant 0 : i32
      %dma_wait3A_41 = tpu.memref_slice %arg8[%dma_wait3A_40] : memref<592xi32, #tpu.memory_space<vmem>> -> memref<576xi32, #tpu.memory_space<vmem>>
      %dma_wait3A_42 = tpu.memref_slice %arg3[%mul3A_4] : memref<18432xi32, #tpu.memory_space<hbm>> -> memref<576xi32, #tpu.memory_space<hbm>>
      tpu.wait_dma2 semaphore(%run_scoped3A : memref<!tpu.dma_semaphore, #tpu.memory_space<semaphore_mem>>) src(%dma_wait3A_42 : memref<576xi32, #tpu.memory_space<hbm>>) dst(%dma_wait3A_41 : memref<576xi32, #tpu.memory_space<vmem>>)
      tpu.yield
    }) : () -> ()
    %mul3A_5 = arith.constant 16 : i32
    %mul3A_6 = arith.muli %mul3A_2, %mul3A_5 : i32
    "tpu.region"() ({
      %run_scoped3A = tpu.sem_alloc : memref<!tpu.dma_semaphore, #tpu.memory_space<semaphore_mem>>
      %dma_start3A_31 = arith.constant 0 : i32
      %dma_start3A_32 = tpu.memref_slice %arg9[%dma_start3A_31] : memref<592xi32, #tpu.memory_space<vmem>> -> memref<576xi32, #tpu.memory_space<vmem>>
      %dma_start3A_33 = tpu.memref_slice %arg4[%mul3A_6] : memref<18432xi32, #tpu.memory_space<hbm>> -> memref<576xi32, #tpu.memory_space<hbm>>
      %dma_start3A_34 = arith.constant 0 : i32
      %dma_start3A_35 = tpu.memref_slice %arg9[%dma_start3A_34] : memref<592xi32, #tpu.memory_space<vmem>> -> memref<576xi32, #tpu.memory_space<vmem>>
      %dma_start3A_36 = tpu.memref_slice %arg4[%mul3A_6] : memref<18432xi32, #tpu.memory_space<hbm>> -> memref<576xi32, #tpu.memory_space<hbm>>
      tpu.enqueue_dma source(%dma_start3A_36 : memref<576xi32, #tpu.memory_space<hbm>>) target(%dma_start3A_35 : memref<576xi32, #tpu.memory_space<vmem>>) target_semaphore(%run_scoped3A : memref<!tpu.dma_semaphore, #tpu.memory_space<semaphore_mem>>)
      %dma_wait3A_37 = arith.constant 0 : i32
      %dma_wait3A_38 = tpu.memref_slice %arg9[%dma_wait3A_37] : memref<592xi32, #tpu.memory_space<vmem>> -> memref<576xi32, #tpu.memory_space<vmem>>
      %dma_wait3A_39 = tpu.memref_slice %arg4[%mul3A_6] : memref<18432xi32, #tpu.memory_space<hbm>> -> memref<576xi32, #tpu.memory_space<hbm>>
      %dma_wait3A_40 = arith.constant 0 : i32
      %dma_wait3A_41 = tpu.memref_slice %arg9[%dma_wait3A_40] : memref<592xi32, #tpu.memory_space<vmem>> -> memref<576xi32, #tpu.memory_space<vmem>>
      %dma_wait3A_42 = tpu.memref_slice %arg4[%mul3A_6] : memref<18432xi32, #tpu.memory_space<hbm>> -> memref<576xi32, #tpu.memory_space<hbm>>
      tpu.wait_dma2 semaphore(%run_scoped3A : memref<!tpu.dma_semaphore, #tpu.memory_space<semaphore_mem>>) src(%dma_wait3A_42 : memref<576xi32, #tpu.memory_space<hbm>>) dst(%dma_wait3A_41 : memref<576xi32, #tpu.memory_space<vmem>>)
      tpu.yield
    }) : () -> ()
    %get3A = arith.constant 14 : index
    %get3A_7 = tpu.vector_load %arg8[%get3A] {strides = array<i32>} : memref<592xi32, #tpu.memory_space<vmem>>, vector<16xi32>,
    %slice3A = vector.extract_strided_slice %get3A_7 {offsets = [0], sizes = [1], strides = [1]} : vector<16xi32> to vector<1xi32>
    %squeeze3A = vector.extract %slice3A[0] : i32 from vector<1xi32>
    %get3A_8 = arith.constant 14 : index
    %get3A_9 = tpu.vector_load %arg9[%get3A_8] {strides = array<i32>} : memref<592xi32, #tpu.memory_space<vmem>>, vector<16xi32>,
    %slice3A_10 = vector.extract_strided_slice %get3A_9 {offsets = [0], sizes = [1], strides = [1]} : vector<16xi32> to vector<1xi32>
    %squeeze3A_11 = vector.extract %slice3A_10[0] : i32 from vector<1xi32>
    %dma_start3A = arith.constant 0 : i32
    %dma_start3A_12 = arith.constant 0 : i32
    %dma_start3A_13 = tpu.memref_slice %arg2[%squeeze3A, %squeeze3A_11, %dma_start3A, %dma_start3A_12] : memref<38x50x16x16xf32, #tpu.memory_space<hbm>> -> memref<16x16x8x16xf32, #tpu.memory_space<hbm>>
    %dma_start3A_14 = arith.constant 0 : i32
    %dma_start3A_15 = arith.constant 0 : i32
    %dma_start3A_16 = tpu.memref_slice %arg2[%squeeze3A, %squeeze3A_11, %dma_start3A_14, %dma_start3A_15] : memref<38x50x16x16xf32, #tpu.memory_space<hbm>> -> memref<16x16x8x16xf32, #tpu.memory_space<hbm>>
    tpu.enqueue_dma source(%dma_start3A_16 : memref<16x16x8x16xf32, #tpu.memory_space<hbm>>) target(%arg6 : memref<16x16x8x16xf32, #tpu.memory_space<vmem>>) target_semaphore(%arg11 : memref<!tpu.dma_semaphore, #tpu.memory_space<semaphore_mem>>)
    %scan3A = arith.constant 0 : i32
    %scan3A_17 = arith.constant 0 : i32
    %scan3A_18 = arith.constant 36 : i32
    %scan3A_19 = arith.addi %scan3A_17, %scan3A_18 : i32
    %scan3A_20 = arith.constant 1 : i32
    scf.for %scan3A_31 = %scan3A_17 to %scan3A_19 step %scan3A_20  : i32 {
      %mul3A_32 = arith.constant 16 : i32
      %mul3A_33 = arith.muli %scan3A_31, %mul3A_32 : i32
      %add3A_34 = arith.constant 14 : i32
      %add3A_35 = arith.addi %mul3A_33, %add3A_34 : i32
      %get3A_36 = arith.index_cast %add3A_35 : i32 to index
      %get3A_37 = tpu.vector_load %arg8[%get3A_36] {strides = array<i32>} : memref<592xi32, #tpu.memory_space<vmem>>, vector<16xi32>,
      %slice3A_38 = vector.extract_strided_slice %get3A_37 {offsets = [0], sizes = [1], strides = [1]} : vector<16xi32> to vector<1xi32>
      %squeeze3A_39 = vector.extract %slice3A_38[0] : i32 from vector<1xi32>
      %add3A_40 = arith.constant 14 : i32
      %add3A_41 = arith.addi %mul3A_33, %add3A_40 : i32
      %get3A_42 = arith.index_cast %add3A_41 : i32 to index
      %get3A_43 = tpu.vector_load %arg9[%get3A_42] {strides = array<i32>} : memref<592xi32, #tpu.memory_space<vmem>>, vector<16xi32>,
      %slice3A_44 = vector.extract_strided_slice %get3A_43 {offsets = [0], sizes = [1], strides = [1]} : vector<16xi32> to vector<1xi32>
      %squeeze3A_45 = vector.extract %slice3A_44[0] : i32 from vector<1xi32>
      %add3A_46 = arith.constant 1 : i32
      %add3A_47 = arith.addi %scan3A_31, %add3A_46 : i32
      %min3A = arith.constant 35 : i32
      %min3A_48 = arith.minsi %add3A_47, %min3A : i32
      %mul3A_49 = arith.constant 16 : i32
      %mul3A_50 = arith.muli %min3A_48, %mul3A_49 : i32
      %add3A_51 = arith.constant 14 : i32
      %add3A_52 = arith.addi %mul3A_50, %add3A_51 : i32
      %get3A_53 = arith.index_cast %add3A_52 : i32 to index
      %get3A_54 = tpu.vector_load %arg8[%get3A_53] {strides = array<i32>} : memref<592xi32, #tpu.memory_space<vmem>>, vector<16xi32>,
      %slice3A_55 = vector.extract_strided_slice %get3A_54 {offsets = [0], sizes = [1], strides = [1]} : vector<16xi32> to vector<1xi32>
      %squeeze3A_56 = vector.extract %slice3A_55[0] : i32 from vector<1xi32>
      %add3A_57 = arith.constant 14 : i32
      %add3A_58 = arith.addi %mul3A_50, %add3A_57 : i32
      %get3A_59 = arith.index_cast %add3A_58 : i32 to index
      %get3A_60 = tpu.vector_load %arg9[%get3A_59] {strides = array<i32>} : memref<592xi32, #tpu.memory_space<vmem>>, vector<16xi32>,
      %slice3A_61 = vector.extract_strided_slice %get3A_60 {offsets = [0], sizes = [1], strides = [1]} : vector<16xi32> to vector<1xi32>
      %squeeze3A_62 = vector.extract %slice3A_61[0] : i32 from vector<1xi32>
      %dma_wait3A_63 = arith.constant 0 : i32
      %dma_wait3A_64 = arith.constant 0 : i32
      %dma_wait3A_65 = tpu.memref_slice %arg2[%squeeze3A_39, %squeeze3A_45, %dma_wait3A_63, %dma_wait3A_64] : memref<38x50x16x16xf32, #tpu.memory_space<hbm>> -> memref<16x16x8x16xf32, #tpu.memory_space<hbm>>
      %dma_wait3A_66 = arith.constant 0 : i32
      %dma_wait3A_67 = arith.constant 0 : i32
      %dma_wait3A_68 = tpu.memref_slice %arg2[%squeeze3A_39, %squeeze3A_45, %dma_wait3A_66, %dma_wait3A_67] : memref<38x50x16x16xf32, #tpu.memory_space<hbm>> -> memref<16x16x8x16xf32, #tpu.memory_space<hbm>>
      tpu.wait_dma2 semaphore(%arg11 : memref<!tpu.dma_semaphore, #tpu.memory_space<semaphore_mem>>) src(%dma_wait3A_68 : memref<16x16x8x16xf32, #tpu.memory_space<hbm>>) dst(%arg6 : memref<16x16x8x16xf32, #tpu.memory_space<vmem>>)
      %dma_start3A_69 = arith.constant 8 : i32
      %dma_start3A_70 = arith.constant 0 : i32
      %dma_start3A_71 = tpu.memref_slice %arg2[%squeeze3A_39, %squeeze3A_45, %dma_start3A_69, %dma_start3A_70] : memref<38x50x16x16xf32, #tpu.memory_space<hbm>> -> memref<16x16x8x16xf32, #tpu.memory_space<hbm>>
      %dma_start3A_72 = arith.constant 8 : i32
      %dma_start3A_73 = arith.constant 0 : i32
      %dma_start3A_74 = tpu.memref_slice %arg2[%squeeze3A_39, %squeeze3A_45, %dma_start3A_72, %dma_start3A_73] : memref<38x50x16x16xf32, #tpu.memory_space<hbm>> -> memref<16x16x8x16xf32, #tpu.memory_space<hbm>>
      tpu.enqueue_dma source(%dma_start3A_74 : memref<16x16x8x16xf32, #tpu.memory_space<hbm>>) target(%arg7 : memref<16x16x8x16xf32, #tpu.memory_space<vmem>>) target_semaphore(%arg12 : memref<!tpu.dma_semaphore, #tpu.memory_space<semaphore_mem>>)
      %scan3A_75 = arith.constant 0 : i32
      %scan3A_76 = arith.constant 0 : i32
      %scan3A_77 = arith.constant 7 : i32
      %scan3A_78 = arith.addi %scan3A_76, %scan3A_77 : i32
      %scan3A_79 = arith.constant 1 : i32
      scf.for %scan3A_100 = %scan3A_76 to %scan3A_78 step %scan3A_79  : i32 {
        %add3A_101 = arith.addi %mul3A_33, %scan3A_100 : i32
        %get3A_102 = arith.index_cast %add3A_101 : i32 to index
        %get3A_103 = tpu.vector_load %arg8[%get3A_102] {strides = array<i32>} : memref<592xi32, #tpu.memory_space<vmem>>, vector<16xi32>,
        %slice3A_104 = vector.extract_strided_slice %get3A_103 {offsets = [0], sizes = [1], strides = [1]} : vector<16xi32> to vector<1xi32>
        %squeeze3A_105 = vector.extract %slice3A_104[0] : i32 from vector<1xi32>
        %sub3A = arith.subi %squeeze3A_105, %squeeze3A_39 : i32
        %add3A_106 = arith.addi %mul3A_33, %scan3A_100 : i32
        %add3A_107 = arith.constant 7 : i32
        %add3A_108 = arith.addi %add3A_106, %add3A_107 : i32
        %get3A_109 = arith.index_cast %add3A_108 : i32 to index
        %get3A_110 = tpu.vector_load %arg8[%get3A_109] {strides = array<i32>} : memref<592xi32, #tpu.memory_space<vmem>>, vector<16xi32>,
        %slice3A_111 = vector.extract_strided_slice %get3A_110 {offsets = [0], sizes = [1], strides = [1]} : vector<16xi32> to vector<1xi32>
        %squeeze3A_112 = vector.extract %slice3A_111[0] : i32 from vector<1xi32>
        %sub3A_113 = arith.subi %squeeze3A_112, %squeeze3A_39 : i32
        %scan3A_114 = arith.constant 0 : i32
        %scan3A_115 = arith.constant 7 : i32
        %scan3A_116 = arith.addi %scan3A_114, %scan3A_115 : i32
        %scan3A_117 = arith.constant 1 : i32
        scf.for %scan3A_119 = %scan3A_114 to %scan3A_116 step %scan3A_117  : i32 {
          %add3A_120 = arith.addi %mul3A_33, %scan3A_119 : i32
          %get3A_121 = arith.index_cast %add3A_120 : i32 to index
          %get3A_122 = tpu.vector_load %arg9[%get3A_121] {strides = array<i32>} : memref<592xi32, #tpu.memory_space<vmem>>, vector<16xi32>,
          %slice3A_123 = vector.extract_strided_slice %get3A_122 {offsets = [0], sizes = [1], strides = [1]} : vector<16xi32> to vector<1xi32>
          %squeeze3A_124 = vector.extract %slice3A_123[0] : i32 from vector<1xi32>
          %sub3A_125 = arith.subi %squeeze3A_124, %squeeze3A_45 : i32
          %add3A_126 = arith.addi %mul3A_33, %scan3A_119 : i32
          %add3A_127 = arith.constant 7 : i32
          %add3A_128 = arith.addi %add3A_126, %add3A_127 : i32
          %get3A_129 = arith.index_cast %add3A_128 : i32 to index
          %get3A_130 = tpu.vector_load %arg9[%get3A_129] {strides = array<i32>} : memref<592xi32, #tpu.memory_space<vmem>>, vector<16xi32>,
          %slice3A_131 = vector.extract_strided_slice %get3A_130 {offsets = [0], sizes = [1], strides = [1]} : vector<16xi32> to vector<1xi32>
          %squeeze3A_132 = vector.extract %slice3A_131[0] : i32 from vector<1xi32>
          %sub3A_133 = arith.subi %squeeze3A_132, %squeeze3A_45 : i32
          %broadcast_in_dim3A = arith.constant -1.000000e+30 : f32
          %broadcast_in_dim3A_134 = vector.broadcast %broadcast_in_dim3A : f32 to vector<16xf32>
          %broadcast_in_dim3A_135 = arith.constant -1.000000e+30 : f32
          %broadcast_in_dim3A_136 = vector.broadcast %broadcast_in_dim3A_135 : f32 to vector<16xf32>
          %broadcast_in_dim3A_137 = arith.constant -1.000000e+30 : f32
          %broadcast_in_dim3A_138 = vector.broadcast %broadcast_in_dim3A_137 : f32 to vector<16xf32>
          %broadcast_in_dim3A_139 = arith.constant -1.000000e+30 : f32
          %broadcast_in_dim3A_140 = vector.broadcast %broadcast_in_dim3A_139 : f32 to vector<16xf32>
          %broadcast_in_dim3A_141 = arith.constant -1.000000e+30 : f32
          %broadcast_in_dim3A_142 = vector.broadcast %broadcast_in_dim3A_141 : f32 to vector<16xf32>
          %broadcast_in_dim3A_143 = arith.constant -1.000000e+30 : f32
          %broadcast_in_dim3A_144 = vector.broadcast %broadcast_in_dim3A_143 : f32 to vector<16xf32>
          %broadcast_in_dim3A_145 = arith.constant -1.000000e+30 : f32
          %broadcast_in_dim3A_146 = vector.broadcast %broadcast_in_dim3A_145 : f32 to vector<16xf32>
          %broadcast_in_dim3A_147 = arith.constant -1.000000e+30 : f32
          %broadcast_in_dim3A_148 = vector.broadcast %broadcast_in_dim3A_147 : f32 to vector<16xf32>
          %while3A = arith.subi %sub3A_113, %sub3A : i32
          %while3A_149 = arith.addi %sub3A, %while3A : i32
          %while3A_150 = arith.constant 1 : i32
          %while3A_151 = arith.divsi %while3A, %while3A_150 : i32
          %while3A_152 = arith.muli %while3A_151, %while3A_150 : i32
          %while3A_153 = arith.addi %sub3A, %while3A_152 : i32
          %while3A_154 = arith.constant 1 : i32
          %while3A_155:8 = scf.for %while3A_223 = %sub3A to %while3A_153 step %while3A_154 iter_args(%while3A_224 = %broadcast_in_dim3A_134, %while3A_225 = %broadcast_in_dim3A_136, %while3A_226 = %broadcast_in_dim3A_138, %while3A_227 = %broadcast_in_dim3A_140, %while3A_228 = %broadcast_in_dim3A_142, %while3A_229 = %broadcast_in_dim3A_144, %while3A_230 = %broadcast_in_dim3A_146, %while3A_231 = %broadcast_in_dim3A_148) -> (vector<16xf32>, vector<16xf32>, vector<16xf32>, vector<16xf32>, vector<16xf32>, vector<16xf32>, vector<16xf32>, vector<16xf32>)  : i32 {
            %while3A_232 = arith.subi %sub3A_133, %sub3A_125 : i32
            %while3A_233 = arith.addi %sub3A_125, %while3A_232 : i32
            %while3A_234 = arith.constant 1 : i32
            %while3A_235 = arith.divsi %while3A_232, %while3A_234 : i32
            %while3A_236 = arith.muli %while3A_235, %while3A_234 : i32
            %while3A_237 = arith.addi %sub3A_125, %while3A_236 : i32
            %while3A_238 = arith.constant 1 : i32
            %while3A_239:8 = scf.for %while3A_242 = %sub3A_125 to %while3A_237 step %while3A_238 iter_args(%while3A_243 = %while3A_224, %while3A_244 = %while3A_225, %while3A_245 = %while3A_226, %while3A_246 = %while3A_227, %while3A_247 = %while3A_228, %while3A_248 = %while3A_229, %while3A_249 = %while3A_230, %while3A_250 = %while3A_231) -> (vector<16xf32>, vector<16xf32>, vector<16xf32>, vector<16xf32>, vector<16xf32>, vector<16xf32>, vector<16xf32>, vector<16xf32>)  : i32 {
              %get3A_251 = arith.constant 0 : i32
              %get3A_252 = arith.index_cast %while3A_223 : i32 to index
              %get3A_253 = arith.index_cast %while3A_242 : i32 to index
              %get3A_254 = arith.index_cast %get3A_251 : i32 to index
              %get3A_255 = arith.constant 0 : index
              %get3A_256 = tpu.vector_load %arg6[%get3A_252, %get3A_253, %get3A_254, %get3A_255] {strides = array<i32>} : memref<16x16x8x16xf32, #tpu.memory_space<vmem>>, vector<16xf32>,
              %max3A = arith.maximumf %while3A_243, %get3A_256 : vector<16xf32>
              %get3A_257 = arith.constant 1 : i32
              %get3A_258 = arith.index_cast %while3A_223 : i32 to index
              %get3A_259 = arith.index_cast %while3A_242 : i32 to index
              %get3A_260 = arith.index_cast %get3A_257 : i32 to index
              %get3A_261 = arith.constant 0 : index
              %get3A_262 = tpu.vector_load %arg6[%get3A_258, %get3A_259, %get3A_260, %get3A_261] {strides = array<i32>} : memref<16x16x8x16xf32, #tpu.memory_space<vmem>>, vector<16xf32>,
              %max3A_263 = arith.maximumf %while3A_244, %get3A_262 : vector<16xf32>
              %get3A_264 = arith.constant 2 : i32
              %get3A_265 = arith.index_cast %while3A_223 : i32 to index
              %get3A_266 = arith.index_cast %while3A_242 : i32 to index
              %get3A_267 = arith.index_cast %get3A_264 : i32 to index
              %get3A_268 = arith.constant 0 : index
              %get3A_269 = tpu.vector_load %arg6[%get3A_265, %get3A_266, %get3A_267, %get3A_268] {strides = array<i32>} : memref<16x16x8x16xf32, #tpu.memory_space<vmem>>, vector<16xf32>,
              %max3A_270 = arith.maximumf %while3A_245, %get3A_269 : vector<16xf32>
              %get3A_271 = arith.constant 3 : i32
              %get3A_272 = arith.index_cast %while3A_223 : i32 to index
              %get3A_273 = arith.index_cast %while3A_242 : i32 to index
              %get3A_274 = arith.index_cast %get3A_271 : i32 to index
              %get3A_275 = arith.constant 0 : index
              %get3A_276 = tpu.vector_load %arg6[%get3A_272, %get3A_273, %get3A_274, %get3A_275] {strides = array<i32>} : memref<16x16x8x16xf32, #tpu.memory_space<vmem>>, vector<16xf32>,
              %max3A_277 = arith.maximumf %while3A_246, %get3A_276 : vector<16xf32>
              %get3A_278 = arith.constant 4 : i32
              %get3A_279 = arith.index_cast %while3A_223 : i32 to index
              %get3A_280 = arith.index_cast %while3A_242 : i32 to index
              %get3A_281 = arith.index_cast %get3A_278 : i32 to index
              %get3A_282 = arith.constant 0 : index
              %get3A_283 = tpu.vector_load %arg6[%get3A_279, %get3A_280, %get3A_281, %get3A_282] {strides = array<i32>} : memref<16x16x8x16xf32, #tpu.memory_space<vmem>>, vector<16xf32>,
              %max3A_284 = arith.maximumf %while3A_247, %get3A_283 : vector<16xf32>
              %get3A_285 = arith.constant 5 : i32
              %get3A_286 = arith.index_cast %while3A_223 : i32 to index
              %get3A_287 = arith.index_cast %while3A_242 : i32 to index
              %get3A_288 = arith.index_cast %get3A_285 : i32 to index
              %get3A_289 = arith.constant 0 : index
              %get3A_290 = tpu.vector_load %arg6[%get3A_286, %get3A_287, %get3A_288, %get3A_289] {strides = array<i32>} : memref<16x16x8x16xf32, #tpu.memory_space<vmem>>, vector<16xf32>,
              %max3A_291 = arith.maximumf %while3A_248, %get3A_290 : vector<16xf32>
              %get3A_292 = arith.constant 6 : i32
              %get3A_293 = arith.index_cast %while3A_223 : i32 to index
              %get3A_294 = arith.index_cast %while3A_242 : i32 to index
              %get3A_295 = arith.index_cast %get3A_292 : i32 to index
              %get3A_296 = arith.constant 0 : index
              %get3A_297 = tpu.vector_load %arg6[%get3A_293, %get3A_294, %get3A_295, %get3A_296] {strides = array<i32>} : memref<16x16x8x16xf32, #tpu.memory_space<vmem>>, vector<16xf32>,
              %max3A_298 = arith.maximumf %while3A_249, %get3A_297 : vector<16xf32>
              %get3A_299 = arith.constant 7 : i32
              %get3A_300 = arith.index_cast %while3A_223 : i32 to index
              %get3A_301 = arith.index_cast %while3A_242 : i32 to index
              %get3A_302 = arith.index_cast %get3A_299 : i32 to index
              %get3A_303 = arith.constant 0 : index
              %get3A_304 = tpu.vector_load %arg6[%get3A_300, %get3A_301, %get3A_302, %get3A_303] {strides = array<i32>} : memref<16x16x8x16xf32, #tpu.memory_space<vmem>>, vector<16xf32>,
              %max3A_305 = arith.maximumf %while3A_250, %get3A_304 : vector<16xf32>
              scf.yield %max3A, %max3A_263, %max3A_270, %max3A_277, %max3A_284, %max3A_291, %max3A_298, %max3A_305 : vector<16xf32>, vector<16xf32>, vector<16xf32>, vector<16xf32>, vector<16xf32>, vector<16xf32>, vector<16xf32>, vector<16xf32>
            }
            %while3A_240 = arith.constant 1 : i32
            %while3A_241:8 = scf.for %while3A_242 = %while3A_237 to %while3A_233 step %while3A_240 iter_args(%while3A_243 = %while3A_239#0, %while3A_244 = %while3A_239#1, %while3A_245 = %while3A_239#2, %while3A_246 = %while3A_239#3, %while3A_247 = %while3A_239#4, %while3A_248 = %while3A_239#5, %while3A_249 = %while3A_239#6, %while3A_250 = %while3A_239#7) -> (vector<16xf32>, vector<16xf32>, vector<16xf32>, vector<16xf32>, vector<16xf32>, vector<16xf32>, vector<16xf32>, vector<16xf32>)  : i32 {
              %get3A_251 = arith.constant 0 : i32
              %get3A_252 = arith.index_cast %while3A_223 : i32 to index
              %get3A_253 = arith.index_cast %while3A_242 : i32 to index
              %get3A_254 = arith.index_cast %get3A_251 : i32 to index
              %get3A_255 = arith.constant 0 : index
              %get3A_256 = tpu.vector_load %arg6[%get3A_252, %get3A_253, %get3A_254, %get3A_255] {strides = array<i32>} : memref<16x16x8x16xf32, #tpu.memory_space<vmem>>, vector<16xf32>,
              %max3A = arith.maximumf %while3A_243, %get3A_256 : vector<16xf32>
              %get3A_257 = arith.constant 1 : i32
              %get3A_258 = arith.index_cast %while3A_223 : i32 to index
              %get3A_259 = arith.index_cast %while3A_242 : i32 to index
              %get3A_260 = arith.index_cast %get3A_257 : i32 to index
              %get3A_261 = arith.constant 0 : index
              %get3A_262 = tpu.vector_load %arg6[%get3A_258, %get3A_259, %get3A_260, %get3A_261] {strides = array<i32>} : memref<16x16x8x16xf32, #tpu.memory_space<vmem>>, vector<16xf32>,
              %max3A_263 = arith.maximumf %while3A_244, %get3A_262 : vector<16xf32>
              %get3A_264 = arith.constant 2 : i32
              %get3A_265 = arith.index_cast %while3A_223 : i32 to index
              %get3A_266 = arith.index_cast %while3A_242 : i32 to index
              %get3A_267 = arith.index_cast %get3A_264 : i32 to index
              %get3A_268 = arith.constant 0 : index
              %get3A_269 = tpu.vector_load %arg6[%get3A_265, %get3A_266, %get3A_267, %get3A_268] {strides = array<i32>} : memref<16x16x8x16xf32, #tpu.memory_space<vmem>>, vector<16xf32>,
              %max3A_270 = arith.maximumf %while3A_245, %get3A_269 : vector<16xf32>
              %get3A_271 = arith.constant 3 : i32
              %get3A_272 = arith.index_cast %while3A_223 : i32 to index
              %get3A_273 = arith.index_cast %while3A_242 : i32 to index
              %get3A_274 = arith.index_cast %get3A_271 : i32 to index
              %get3A_275 = arith.constant 0 : index
              %get3A_276 = tpu.vector_load %arg6[%get3A_272, %get3A_273, %get3A_274, %get3A_275] {strides = array<i32>} : memref<16x16x8x16xf32, #tpu.memory_space<vmem>>, vector<16xf32>,
              %max3A_277 = arith.maximumf %while3A_246, %get3A_276 : vector<16xf32>
              %get3A_278 = arith.constant 4 : i32
              %get3A_279 = arith.index_cast %while3A_223 : i32 to index
              %get3A_280 = arith.index_cast %while3A_242 : i32 to index
              %get3A_281 = arith.index_cast %get3A_278 : i32 to index
              %get3A_282 = arith.constant 0 : index
              %get3A_283 = tpu.vector_load %arg6[%get3A_279, %get3A_280, %get3A_281, %get3A_282] {strides = array<i32>} : memref<16x16x8x16xf32, #tpu.memory_space<vmem>>, vector<16xf32>,
              %max3A_284 = arith.maximumf %while3A_247, %get3A_283 : vector<16xf32>
              %get3A_285 = arith.constant 5 : i32
              %get3A_286 = arith.index_cast %while3A_223 : i32 to index
              %get3A_287 = arith.index_cast %while3A_242 : i32 to index
              %get3A_288 = arith.index_cast %get3A_285 : i32 to index
              %get3A_289 = arith.constant 0 : index
              %get3A_290 = tpu.vector_load %arg6[%get3A_286, %get3A_287, %get3A_288, %get3A_289] {strides = array<i32>} : memref<16x16x8x16xf32, #tpu.memory_space<vmem>>, vector<16xf32>,
              %max3A_291 = arith.maximumf %while3A_248, %get3A_290 : vector<16xf32>
              %get3A_292 = arith.constant 6 : i32
              %get3A_293 = arith.index_cast %while3A_223 : i32 to index
              %get3A_294 = arith.index_cast %while3A_242 : i32 to index
              %get3A_295 = arith.index_cast %get3A_292 : i32 to index
              %get3A_296 = arith.constant 0 : index
              %get3A_297 = tpu.vector_load %arg6[%get3A_293, %get3A_294, %get3A_295, %get3A_296] {strides = array<i32>} : memref<16x16x8x16xf32, #tpu.memory_space<vmem>>, vector<16xf32>,
              %max3A_298 = arith.maximumf %while3A_249, %get3A_297 : vector<16xf32>
              %get3A_299 = arith.constant 7 : i32
              %get3A_300 = arith.index_cast %while3A_223 : i32 to index
              %get3A_301 = arith.index_cast %while3A_242 : i32 to index
              %get3A_302 = arith.index_cast %get3A_299 : i32 to index
              %get3A_303 = arith.constant 0 : index
              %get3A_304 = tpu.vector_load %arg6[%get3A_300, %get3A_301, %get3A_302, %get3A_303] {strides = array<i32>} : memref<16x16x8x16xf32, #tpu.memory_space<vmem>>, vector<16xf32>,
              %max3A_305 = arith.maximumf %while3A_250, %get3A_304 : vector<16xf32>
              scf.yield %max3A, %max3A_263, %max3A_270, %max3A_277, %max3A_284, %max3A_291, %max3A_298, %max3A_305 : vector<16xf32>, vector<16xf32>, vector<16xf32>, vector<16xf32>, vector<16xf32>, vector<16xf32>, vector<16xf32>, vector<16xf32>
            }
            scf.yield %while3A_241#0, %while3A_241#1, %while3A_241#2, %while3A_241#3, %while3A_241#4, %while3A_241#5, %while3A_241#6, %while3A_241#7 : vector<16xf32>, vector<16xf32>, vector<16xf32>, vector<16xf32>, vector<16xf32>, vector<16xf32>, vector<16xf32>, vector<16xf32>
          }
          %while3A_156 = arith.constant 1 : i32
          %while3A_157:8 = scf.for %while3A_223 = %while3A_153 to %while3A_149 step %while3A_156 iter_args(%while3A_224 = %while3A_155#0, %while3A_225 = %while3A_155#1, %while3A_226 = %while3A_155#2, %while3A_227 = %while3A_155#3, %while3A_228 = %while3A_155#4, %while3A_229 = %while3A_155#5, %while3A_230 = %while3A_155#6, %while3A_231 = %while3A_155#7) -> (vector<16xf32>, vector<16xf32>, vector<16xf32>, vector<16xf32>, vector<16xf32>, vector<16xf32>, vector<16xf32>, vector<16xf32>)  : i32 {
            %while3A_232 = arith.subi %sub3A_133, %sub3A_125 : i32
            %while3A_233 = arith.addi %sub3A_125, %while3A_232 : i32
            %while3A_234 = arith.constant 1 : i32
            %while3A_235 = arith.divsi %while3A_232, %while3A_234 : i32
            %while3A_236 = arith.muli %while3A_235, %while3A_234 : i32
            %while3A_237 = arith.addi %sub3A_125, %while3A_236 : i32
            %while3A_238 = arith.constant 1 : i32
            %while3A_239:8 = scf.for %while3A_242 = %sub3A_125 to %while3A_237 step %while3A_238 iter_args(%while3A_243 = %while3A_224, %while3A_244 = %while3A_225, %while3A_245 = %while3A_226, %while3A_246 = %while3A_227, %while3A_247 = %while3A_228, %while3A_248 = %while3A_229, %while3A_249 = %while3A_230, %while3A_250 = %while3A_231) -> (vector<16xf32>, vector<16xf32>, vector<16xf32>, vector<16xf32>, vector<16xf32>, vector<16xf32>, vector<16xf32>, vector<16xf32>)  : i32 {
              %get3A_251 = arith.constant 0 : i32
              %get3A_252 = arith.index_cast %while3A_223 : i32 to index
              %get3A_253 = arith.index_cast %while3A_242 : i32 to index
              %get3A_254 = arith.index_cast %get3A_251 : i32 to index
              %get3A_255 = arith.constant 0 : index
              %get3A_256 = tpu.vector_load %arg6[%get3A_252, %get3A_253, %get3A_254, %get3A_255] {strides = array<i32>} : memref<16x16x8x16xf32, #tpu.memory_space<vmem>>, vector<16xf32>,
              %max3A = arith.maximumf %while3A_243, %get3A_256 : vector<16xf32>
              %get3A_257 = arith.constant 1 : i32
              %get3A_258 = arith.index_cast %while3A_223 : i32 to index
              %get3A_259 = arith.index_cast %while3A_242 : i32 to index
              %get3A_260 = arith.index_cast %get3A_257 : i32 to index
              %get3A_261 = arith.constant 0 : index
              %get3A_262 = tpu.vector_load %arg6[%get3A_258, %get3A_259, %get3A_260, %get3A_261] {strides = array<i32>} : memref<16x16x8x16xf32, #tpu.memory_space<vmem>>, vector<16xf32>,
              %max3A_263 = arith.maximumf %while3A_244, %get3A_262 : vector<16xf32>
              %get3A_264 = arith.constant 2 : i32
              %get3A_265 = arith.index_cast %while3A_223 : i32 to index
              %get3A_266 = arith.index_cast %while3A_242 : i32 to index
              %get3A_267 = arith.index_cast %get3A_264 : i32 to index
              %get3A_268 = arith.constant 0 : index
              %get3A_269 = tpu.vector_load %arg6[%get3A_265, %get3A_266, %get3A_267, %get3A_268] {strides = array<i32>} : memref<16x16x8x16xf32, #tpu.memory_space<vmem>>, vector<16xf32>,
              %max3A_270 = arith.maximumf %while3A_245, %get3A_269 : vector<16xf32>
              %get3A_271 = arith.constant 3 : i32
              %get3A_272 = arith.index_cast %while3A_223 : i32 to index
              %get3A_273 = arith.index_cast %while3A_242 : i32 to index
              %get3A_274 = arith.index_cast %get3A_271 : i32 to index
              %get3A_275 = arith.constant 0 : index
              %get3A_276 = tpu.vector_load %arg6[%get3A_272, %get3A_273, %get3A_274, %get3A_275] {strides = array<i32>} : memref<16x16x8x16xf32, #tpu.memory_space<vmem>>, vector<16xf32>,
              %max3A_277 = arith.maximumf %while3A_246, %get3A_276 : vector<16xf32>
              %get3A_278 = arith.constant 4 : i32
              %get3A_279 = arith.index_cast %while3A_223 : i32 to index
              %get3A_280 = arith.index_cast %while3A_242 : i32 to index
              %get3A_281 = arith.index_cast %get3A_278 : i32 to index
              %get3A_282 = arith.constant 0 : index
              %get3A_283 = tpu.vector_load %arg6[%get3A_279, %get3A_280, %get3A_281, %get3A_282] {strides = array<i32>} : memref<16x16x8x16xf32, #tpu.memory_space<vmem>>, vector<16xf32>,
              %max3A_284 = arith.maximumf %while3A_247, %get3A_283 : vector<16xf32>
              %get3A_285 = arith.constant 5 : i32
              %get3A_286 = arith.index_cast %while3A_223 : i32 to index
              %get3A_287 = arith.index_cast %while3A_242 : i32 to index
              %get3A_288 = arith.index_cast %get3A_285 : i32 to index
              %get3A_289 = arith.constant 0 : index
              %get3A_290 = tpu.vector_load %arg6[%get3A_286, %get3A_287, %get3A_288, %get3A_289] {strides = array<i32>} : memref<16x16x8x16xf32, #tpu.memory_space<vmem>>, vector<16xf32>,
              %max3A_291 = arith.maximumf %while3A_248, %get3A_290 : vector<16xf32>
              %get3A_292 = arith.constant 6 : i32
              %get3A_293 = arith.index_cast %while3A_223 : i32 to index
              %get3A_294 = arith.index_cast %while3A_242 : i32 to index
              %get3A_295 = arith.index_cast %get3A_292 : i32 to index
              %get3A_296 = arith.constant 0 : index
              %get3A_297 = tpu.vector_load %arg6[%get3A_293, %get3A_294, %get3A_295, %get3A_296] {strides = array<i32>} : memref<16x16x8x16xf32, #tpu.memory_space<vmem>>, vector<16xf32>,
              %max3A_298 = arith.maximumf %while3A_249, %get3A_297 : vector<16xf32>
              %get3A_299 = arith.constant 7 : i32
              %get3A_300 = arith.index_cast %while3A_223 : i32 to index
              %get3A_301 = arith.index_cast %while3A_242 : i32 to index
              %get3A_302 = arith.index_cast %get3A_299 : i32 to index
              %get3A_303 = arith.constant 0 : index
              %get3A_304 = tpu.vector_load %arg6[%get3A_300, %get3A_301, %get3A_302, %get3A_303] {strides = array<i32>} : memref<16x16x8x16xf32, #tpu.memory_space<vmem>>, vector<16xf32>,
              %max3A_305 = arith.maximumf %while3A_250, %get3A_304 : vector<16xf32>
              scf.yield %max3A, %max3A_263, %max3A_270, %max3A_277, %max3A_284, %max3A_291, %max3A_298, %max3A_305 : vector<16xf32>, vector<16xf32>, vector<16xf32>, vector<16xf32>, vector<16xf32>, vector<16xf32>, vector<16xf32>, vector<16xf32>
            }
            %while3A_240 = arith.constant 1 : i32
            %while3A_241:8 = scf.for %while3A_242 = %while3A_237 to %while3A_233 step %while3A_240 iter_args(%while3A_243 = %while3A_239#0, %while3A_244 = %while3A_239#1, %while3A_245 = %while3A_239#2, %while3A_246 = %while3A_239#3, %while3A_247 = %while3A_239#4, %while3A_248 = %while3A_239#5, %while3A_249 = %while3A_239#6, %while3A_250 = %while3A_239#7) -> (vector<16xf32>, vector<16xf32>, vector<16xf32>, vector<16xf32>, vector<16xf32>, vector<16xf32>, vector<16xf32>, vector<16xf32>)  : i32 {
              %get3A_251 = arith.constant 0 : i32
              %get3A_252 = arith.index_cast %while3A_223 : i32 to index
              %get3A_253 = arith.index_cast %while3A_242 : i32 to index
              %get3A_254 = arith.index_cast %get3A_251 : i32 to index
              %get3A_255 = arith.constant 0 : index
              %get3A_256 = tpu.vector_load %arg6[%get3A_252, %get3A_253, %get3A_254, %get3A_255] {strides = array<i32>} : memref<16x16x8x16xf32, #tpu.memory_space<vmem>>, vector<16xf32>,
              %max3A = arith.maximumf %while3A_243, %get3A_256 : vector<16xf32>
              %get3A_257 = arith.constant 1 : i32
              %get3A_258 = arith.index_cast %while3A_223 : i32 to index
              %get3A_259 = arith.index_cast %while3A_242 : i32 to index
              %get3A_260 = arith.index_cast %get3A_257 : i32 to index
              %get3A_261 = arith.constant 0 : index
              %get3A_262 = tpu.vector_load %arg6[%get3A_258, %get3A_259, %get3A_260, %get3A_261] {strides = array<i32>} : memref<16x16x8x16xf32, #tpu.memory_space<vmem>>, vector<16xf32>,
              %max3A_263 = arith.maximumf %while3A_244, %get3A_262 : vector<16xf32>
              %get3A_264 = arith.constant 2 : i32
              %get3A_265 = arith.index_cast %while3A_223 : i32 to index
              %get3A_266 = arith.index_cast %while3A_242 : i32 to index
              %get3A_267 = arith.index_cast %get3A_264 : i32 to index
              %get3A_268 = arith.constant 0 : index
              %get3A_269 = tpu.vector_load %arg6[%get3A_265, %get3A_266, %get3A_267, %get3A_268] {strides = array<i32>} : memref<16x16x8x16xf32, #tpu.memory_space<vmem>>, vector<16xf32>,
              %max3A_270 = arith.maximumf %while3A_245, %get3A_269 : vector<16xf32>
              %get3A_271 = arith.constant 3 : i32
              %get3A_272 = arith.index_cast %while3A_223 : i32 to index
              %get3A_273 = arith.index_cast %while3A_242 : i32 to index
              %get3A_274 = arith.index_cast %get3A_271 : i32 to index
              %get3A_275 = arith.constant 0 : index
              %get3A_276 = tpu.vector_load %arg6[%get3A_272, %get3A_273, %get3A_274, %get3A_275] {strides = array<i32>} : memref<16x16x8x16xf32, #tpu.memory_space<vmem>>, vector<16xf32>,
              %max3A_277 = arith.maximumf %while3A_246, %get3A_276 : vector<16xf32>
              %get3A_278 = arith.constant 4 : i32
              %get3A_279 = arith.index_cast %while3A_223 : i32 to index
              %get3A_280 = arith.index_cast %while3A_242 : i32 to index
              %get3A_281 = arith.index_cast %get3A_278 : i32 to index
              %get3A_282 = arith.constant 0 : index
              %get3A_283 = tpu.vector_load %arg6[%get3A_279, %get3A_280, %get3A_281, %get3A_282] {strides = array<i32>} : memref<16x16x8x16xf32, #tpu.memory_space<vmem>>, vector<16xf32>,
              %max3A_284 = arith.maximumf %while3A_247, %get3A_283 : vector<16xf32>
              %get3A_285 = arith.constant 5 : i32
              %get3A_286 = arith.index_cast %while3A_223 : i32 to index
              %get3A_287 = arith.index_cast %while3A_242 : i32 to index
              %get3A_288 = arith.index_cast %get3A_285 : i32 to index
              %get3A_289 = arith.constant 0 : index
              %get3A_290 = tpu.vector_load %arg6[%get3A_286, %get3A_287, %get3A_288, %get3A_289] {strides = array<i32>} : memref<16x16x8x16xf32, #tpu.memory_space<vmem>>, vector<16xf32>,
              %max3A_291 = arith.maximumf %while3A_248, %get3A_290 : vector<16xf32>
              %get3A_292 = arith.constant 6 : i32
              %get3A_293 = arith.index_cast %while3A_223 : i32 to index
              %get3A_294 = arith.index_cast %while3A_242 : i32 to index
              %get3A_295 = arith.index_cast %get3A_292 : i32 to index
              %get3A_296 = arith.constant 0 : index
              %get3A_297 = tpu.vector_load %arg6[%get3A_293, %get3A_294, %get3A_295, %get3A_296] {strides = array<i32>} : memref<16x16x8x16xf32, #tpu.memory_space<vmem>>, vector<16xf32>,
              %max3A_298 = arith.maximumf %while3A_249, %get3A_297 : vector<16xf32>
              %get3A_299 = arith.constant 7 : i32
              %get3A_300 = arith.index_cast %while3A_223 : i32 to index
              %get3A_301 = arith.index_cast %while3A_242 : i32 to index
              %get3A_302 = arith.index_cast %get3A_299 : i32 to index
              %get3A_303 = arith.constant 0 : index
              %get3A_304 = tpu.vector_load %arg6[%get3A_300, %get3A_301, %get3A_302, %get3A_303] {strides = array<i32>} : memref<16x16x8x16xf32, #tpu.memory_space<vmem>>, vector<16xf32>,
              %max3A_305 = arith.maximumf %while3A_250, %get3A_304 : vector<16xf32>
              scf.yield %max3A, %max3A_263, %max3A_270, %max3A_277, %max3A_284, %max3A_291, %max3A_298, %max3A_305 : vector<16xf32>, vector<16xf32>, vector<16xf32>, vector<16xf32>, vector<16xf32>, vector<16xf32>, vector<16xf32>, vector<16xf32>
            }
            scf.yield %while3A_241#0, %while3A_241#1, %while3A_241#2, %while3A_241#3, %while3A_241#4, %while3A_241#5, %while3A_241#6, %while3A_241#7 : vector<16xf32>, vector<16xf32>, vector<16xf32>, vector<16xf32>, vector<16xf32>, vector<16xf32>, vector<16xf32>, vector<16xf32>
          }
          %le3A = arith.cmpi sle, %sub3A_133, %sub3A_125 : i32
          %le3A_158 = arith.cmpi sle, %sub3A_113, %sub3A : i32
          %or3A = arith.ori %le3A, %le3A_158 : i1
          %mul3A_159 = arith.constant 7 : i32
          %mul3A_160 = arith.muli %scan3A_100, %mul3A_159 : i32
          %add3A_161 = arith.addi %mul3A_160, %scan3A_119 : i32
          %jit3A = arith.constant 0.000000e+00 : f32
          %broadcast_in_dim3A_162 = vector.broadcast %jit3A : f32 to vector<16xf32>
          %select_n3A = arith.select %or3A, %broadcast_in_dim3A_162, %while3A_157#0 : vector<16xf32>
          %swap3A = arith.constant 0 : i32
          %swap3A_163 = arith.index_cast %add3A_161 : i32 to index
          %swap3A_164 = arith.index_cast %swap3A : i32 to index
          %swap3A_165 = arith.constant 0 : index
          %swap3A_166 = tpu.vector_load %arg10[%swap3A_163, %swap3A_164, %swap3A_165] {strides = array<i32>} : memref<49x16x16xf32, #tpu.memory_space<vmem>>, vector<16xf32>,
          tpu.vector_store %arg10[%swap3A_163, %swap3A_164, %swap3A_165], %select_n3A {strides = array<i32>} : memref<49x16x16xf32, #tpu.memory_space<vmem>>, vector<16xf32>,
          %jit3A_167 = arith.constant 0.000000e+00 : f32
          %broadcast_in_dim3A_168 = vector.broadcast %jit3A_167 : f32 to vector<16xf32>
          %select_n3A_169 = arith.select %or3A, %broadcast_in_dim3A_168, %while3A_157#1 : vector<16xf32>
          %swap3A_170 = arith.constant 1 : i32
          %swap3A_171 = arith.index_cast %add3A_161 : i32 to index
          %swap3A_172 = arith.index_cast %swap3A_170 : i32 to index
          %swap3A_173 = arith.constant 0 : index
          %swap3A_174 = tpu.vector_load %arg10[%swap3A_171, %swap3A_172, %swap3A_173] {strides = array<i32>} : memref<49x16x16xf32, #tpu.memory_space<vmem>>, vector<16xf32>,
          tpu.vector_store %arg10[%swap3A_171, %swap3A_172, %swap3A_173], %select_n3A_169 {strides = array<i32>} : memref<49x16x16xf32, #tpu.memory_space<vmem>>, vector<16xf32>,
          %jit3A_175 = arith.constant 0.000000e+00 : f32
          %broadcast_in_dim3A_176 = vector.broadcast %jit3A_175 : f32 to vector<16xf32>
          %select_n3A_177 = arith.select %or3A, %broadcast_in_dim3A_176, %while3A_157#2 : vector<16xf32>
          %swap3A_178 = arith.constant 2 : i32
          %swap3A_179 = arith.index_cast %add3A_161 : i32 to index
          %swap3A_180 = arith.index_cast %swap3A_178 : i32 to index
          %swap3A_181 = arith.constant 0 : index
          %swap3A_182 = tpu.vector_load %arg10[%swap3A_179, %swap3A_180, %swap3A_181] {strides = array<i32>} : memref<49x16x16xf32, #tpu.memory_space<vmem>>, vector<16xf32>,
          tpu.vector_store %arg10[%swap3A_179, %swap3A_180, %swap3A_181], %select_n3A_177 {strides = array<i32>} : memref<49x16x16xf32, #tpu.memory_space<vmem>>, vector<16xf32>,
          %jit3A_183 = arith.constant 0.000000e+00 : f32
          %broadcast_in_dim3A_184 = vector.broadcast %jit3A_183 : f32 to vector<16xf32>
          %select_n3A_185 = arith.select %or3A, %broadcast_in_dim3A_184, %while3A_157#3 : vector<16xf32>
          %swap3A_186 = arith.constant 3 : i32
          %swap3A_187 = arith.index_cast %add3A_161 : i32 to index
          %swap3A_188 = arith.index_cast %swap3A_186 : i32 to index
          %swap3A_189 = arith.constant 0 : index
          %swap3A_190 = tpu.vector_load %arg10[%swap3A_187, %swap3A_188, %swap3A_189] {strides = array<i32>} : memref<49x16x16xf32, #tpu.memory_space<vmem>>, vector<16xf32>,
          tpu.vector_store %arg10[%swap3A_187, %swap3A_188, %swap3A_189], %select_n3A_185 {strides = array<i32>} : memref<49x16x16xf32, #tpu.memory_space<vmem>>, vector<16xf32>,
          %jit3A_191 = arith.constant 0.000000e+00 : f32
          %broadcast_in_dim3A_192 = vector.broadcast %jit3A_191 : f32 to vector<16xf32>
          %select_n3A_193 = arith.select %or3A, %broadcast_in_dim3A_192, %while3A_157#4 : vector<16xf32>
          %swap3A_194 = arith.constant 4 : i32
          %swap3A_195 = arith.index_cast %add3A_161 : i32 to index
          %swap3A_196 = arith.index_cast %swap3A_194 : i32 to index
          %swap3A_197 = arith.constant 0 : index
          %swap3A_198 = tpu.vector_load %arg10[%swap3A_195, %swap3A_196, %swap3A_197] {strides = array<i32>} : memref<49x16x16xf32, #tpu.memory_space<vmem>>, vector<16xf32>,
          tpu.vector_store %arg10[%swap3A_195, %swap3A_196, %swap3A_197], %select_n3A_193 {strides = array<i32>} : memref<49x16x16xf32, #tpu.memory_space<vmem>>, vector<16xf32>,
          %jit3A_199 = arith.constant 0.000000e+00 : f32
          %broadcast_in_dim3A_200 = vector.broadcast %jit3A_199 : f32 to vector<16xf32>
          %select_n3A_201 = arith.select %or3A, %broadcast_in_dim3A_200, %while3A_157#5 : vector<16xf32>
          %swap3A_202 = arith.constant 5 : i32
          %swap3A_203 = arith.index_cast %add3A_161 : i32 to index
          %swap3A_204 = arith.index_cast %swap3A_202 : i32 to index
          %swap3A_205 = arith.constant 0 : index
          %swap3A_206 = tpu.vector_load %arg10[%swap3A_203, %swap3A_204, %swap3A_205] {strides = array<i32>} : memref<49x16x16xf32, #tpu.memory_space<vmem>>, vector<16xf32>,
          tpu.vector_store %arg10[%swap3A_203, %swap3A_204, %swap3A_205], %select_n3A_201 {strides = array<i32>} : memref<49x16x16xf32, #tpu.memory_space<vmem>>, vector<16xf32>,
          %jit3A_207 = arith.constant 0.000000e+00 : f32
          %broadcast_in_dim3A_208 = vector.broadcast %jit3A_207 : f32 to vector<16xf32>
          %select_n3A_209 = arith.select %or3A, %broadcast_in_dim3A_208, %while3A_157#6 : vector<16xf32>
          %swap3A_210 = arith.constant 6 : i32
          %swap3A_211 = arith.index_cast %add3A_161 : i32 to index
          %swap3A_212 = arith.index_cast %swap3A_210 : i32 to index
          %swap3A_213 = arith.constant 0 : index
          %swap3A_214 = tpu.vector_load %arg10[%swap3A_211, %swap3A_212, %swap3A_213] {strides = array<i32>} : memref<49x16x16xf32, #tpu.memory_space<vmem>>, vector<16xf32>,
          tpu.vector_store %arg10[%swap3A_211, %swap3A_212, %swap3A_213], %select_n3A_209 {strides = array<i32>} : memref<49x16x16xf32, #tpu.memory_space<vmem>>, vector<16xf32>,
          %jit3A_215 = arith.constant 0.000000e+00 : f32
          %broadcast_in_dim3A_216 = vector.broadcast %jit3A_215 : f32 to vector<16xf32>
          %select_n3A_217 = arith.select %or3A, %broadcast_in_dim3A_216, %while3A_157#7 : vector<16xf32>
          %swap3A_218 = arith.constant 7 : i32
          %swap3A_219 = arith.index_cast %add3A_161 : i32 to index
          %swap3A_220 = arith.index_cast %swap3A_218 : i32 to index
          %swap3A_221 = arith.constant 0 : index
          %swap3A_222 = tpu.vector_load %arg10[%swap3A_219, %swap3A_220, %swap3A_221] {strides = array<i32>} : memref<49x16x16xf32, #tpu.memory_space<vmem>>, vector<16xf32>,
          tpu.vector_store %arg10[%swap3A_219, %swap3A_220, %swap3A_221], %select_n3A_217 {strides = array<i32>} : memref<49x16x16xf32, #tpu.memory_space<vmem>>, vector<16xf32>,
        }
        %scan3A_118 = arith.constant 7 : i32
      }
      %scan3A_80 = arith.constant 7 : i32
      %dma_wait3A_81 = arith.constant 8 : i32
      %dma_wait3A_82 = arith.constant 0 : i32
      %dma_wait3A_83 = tpu.memref_slice %arg2[%squeeze3A_39, %squeeze3A_45, %dma_wait3A_81, %dma_wait3A_82] : memref<38x50x16x16xf32, #tpu.memory_space<hbm>> -> memref<16x16x8x16xf32, #tpu.memory_space<hbm>>
      %dma_wait3A_84 = arith.constant 8 : i32
      %dma_wait3A_85 = arith.constant 0 : i32
      %dma_wait3A_86 = tpu.memref_slice %arg2[%squeeze3A_39, %squeeze3A_45, %dma_wait3A_84, %dma_wait3A_85] : memref<38x50x16x16xf32, #tpu.memory_space<hbm>> -> memref<16x16x8x16xf32, #tpu.memory_space<hbm>>
      tpu.wait_dma2 semaphore(%arg12 : memref<!tpu.dma_semaphore, #tpu.memory_space<semaphore_mem>>) src(%dma_wait3A_86 : memref<16x16x8x16xf32, #tpu.memory_space<hbm>>) dst(%arg7 : memref<16x16x8x16xf32, #tpu.memory_space<vmem>>)
      %dma_start3A_87 = arith.constant 0 : i32
      %dma_start3A_88 = arith.constant 0 : i32
      %dma_start3A_89 = tpu.memref_slice %arg2[%squeeze3A_56, %squeeze3A_62, %dma_start3A_87, %dma_start3A_88] : memref<38x50x16x16xf32, #tpu.memory_space<hbm>> -> memref<16x16x8x16xf32, #tpu.memory_space<hbm>>
      %dma_start3A_90 = arith.constant 0 : i32
      %dma_start3A_91 = arith.constant 0 : i32
      %dma_start3A_92 = tpu.memref_slice %arg2[%squeeze3A_56, %squeeze3A_62, %dma_start3A_90, %dma_start3A_91] : memref<38x50x16x16xf32, #tpu.memory_space<hbm>> -> memref<16x16x8x16xf32, #tpu.memory_space<hbm>>
      tpu.enqueue_dma source(%dma_start3A_92 : memref<16x16x8x16xf32, #tpu.memory_space<hbm>>) target(%arg6 : memref<16x16x8x16xf32, #tpu.memory_space<vmem>>) target_semaphore(%arg11 : memref<!tpu.dma_semaphore, #tpu.memory_space<semaphore_mem>>)
      %scan3A_93 = arith.constant 0 : i32
      %scan3A_94 = arith.constant 0 : i32
      %scan3A_95 = arith.constant 7 : i32
      %scan3A_96 = arith.addi %scan3A_94, %scan3A_95 : i32
      %scan3A_97 = arith.constant 1 : i32
      scf.for %scan3A_100 = %scan3A_94 to %scan3A_96 step %scan3A_97  : i32 {
        %add3A_101 = arith.addi %mul3A_33, %scan3A_100 : i32
        %get3A_102 = arith.index_cast %add3A_101 : i32 to index
        %get3A_103 = tpu.vector_load %arg8[%get3A_102] {strides = array<i32>} : memref<592xi32, #tpu.memory_space<vmem>>, vector<16xi32>,
        %slice3A_104 = vector.extract_strided_slice %get3A_103 {offsets = [0], sizes = [1], strides = [1]} : vector<16xi32> to vector<1xi32>
        %squeeze3A_105 = vector.extract %slice3A_104[0] : i32 from vector<1xi32>
        %sub3A = arith.subi %squeeze3A_105, %squeeze3A_39 : i32
        %add3A_106 = arith.addi %mul3A_33, %scan3A_100 : i32
        %add3A_107 = arith.constant 7 : i32
        %add3A_108 = arith.addi %add3A_106, %add3A_107 : i32
        %get3A_109 = arith.index_cast %add3A_108 : i32 to index
        %get3A_110 = tpu.vector_load %arg8[%get3A_109] {strides = array<i32>} : memref<592xi32, #tpu.memory_space<vmem>>, vector<16xi32>,
        %slice3A_111 = vector.extract_strided_slice %get3A_110 {offsets = [0], sizes = [1], strides = [1]} : vector<16xi32> to vector<1xi32>
        %squeeze3A_112 = vector.extract %slice3A_111[0] : i32 from vector<1xi32>
        %sub3A_113 = arith.subi %squeeze3A_112, %squeeze3A_39 : i32
        %scan3A_114 = arith.constant 0 : i32
        %scan3A_115 = arith.constant 7 : i32
        %scan3A_116 = arith.addi %scan3A_114, %scan3A_115 : i32
        %scan3A_117 = arith.constant 1 : i32
        scf.for %scan3A_119 = %scan3A_114 to %scan3A_116 step %scan3A_117  : i32 {
          %add3A_120 = arith.addi %mul3A_33, %scan3A_119 : i32
          %get3A_121 = arith.index_cast %add3A_120 : i32 to index
          %get3A_122 = tpu.vector_load %arg9[%get3A_121] {strides = array<i32>} : memref<592xi32, #tpu.memory_space<vmem>>, vector<16xi32>,
          %slice3A_123 = vector.extract_strided_slice %get3A_122 {offsets = [0], sizes = [1], strides = [1]} : vector<16xi32> to vector<1xi32>
          %squeeze3A_124 = vector.extract %slice3A_123[0] : i32 from vector<1xi32>
          %sub3A_125 = arith.subi %squeeze3A_124, %squeeze3A_45 : i32
          %add3A_126 = arith.addi %mul3A_33, %scan3A_119 : i32
          %add3A_127 = arith.constant 7 : i32
          %add3A_128 = arith.addi %add3A_126, %add3A_127 : i32
          %get3A_129 = arith.index_cast %add3A_128 : i32 to index
          %get3A_130 = tpu.vector_load %arg9[%get3A_129] {strides = array<i32>} : memref<592xi32, #tpu.memory_space<vmem>>, vector<16xi32>,
          %slice3A_131 = vector.extract_strided_slice %get3A_130 {offsets = [0], sizes = [1], strides = [1]} : vector<16xi32> to vector<1xi32>
          %squeeze3A_132 = vector.extract %slice3A_131[0] : i32 from vector<1xi32>
          %sub3A_133 = arith.subi %squeeze3A_132, %squeeze3A_45 : i32
          %broadcast_in_dim3A = arith.constant -1.000000e+30 : f32
          %broadcast_in_dim3A_134 = vector.broadcast %broadcast_in_dim3A : f32 to vector<16xf32>
          %broadcast_in_dim3A_135 = arith.constant -1.000000e+30 : f32
          %broadcast_in_dim3A_136 = vector.broadcast %broadcast_in_dim3A_135 : f32 to vector<16xf32>
          %broadcast_in_dim3A_137 = arith.constant -1.000000e+30 : f32
          %broadcast_in_dim3A_138 = vector.broadcast %broadcast_in_dim3A_137 : f32 to vector<16xf32>
          %broadcast_in_dim3A_139 = arith.constant -1.000000e+30 : f32
          %broadcast_in_dim3A_140 = vector.broadcast %broadcast_in_dim3A_139 : f32 to vector<16xf32>
          %broadcast_in_dim3A_141 = arith.constant -1.000000e+30 : f32
          %broadcast_in_dim3A_142 = vector.broadcast %broadcast_in_dim3A_141 : f32 to vector<16xf32>
          %broadcast_in_dim3A_143 = arith.constant -1.000000e+30 : f32
          %broadcast_in_dim3A_144 = vector.broadcast %broadcast_in_dim3A_143 : f32 to vector<16xf32>
          %broadcast_in_dim3A_145 = arith.constant -1.000000e+30 : f32
          %broadcast_in_dim3A_146 = vector.broadcast %broadcast_in_dim3A_145 : f32 to vector<16xf32>
          %broadcast_in_dim3A_147 = arith.constant -1.000000e+30 : f32
          %broadcast_in_dim3A_148 = vector.broadcast %broadcast_in_dim3A_147 : f32 to vector<16xf32>
          %while3A = arith.subi %sub3A_113, %sub3A : i32
          %while3A_149 = arith.addi %sub3A, %while3A : i32
          %while3A_150 = arith.constant 1 : i32
          %while3A_151 = arith.divsi %while3A, %while3A_150 : i32
          %while3A_152 = arith.muli %while3A_151, %while3A_150 : i32
          %while3A_153 = arith.addi %sub3A, %while3A_152 : i32
          %while3A_154 = arith.constant 1 : i32
          %while3A_155:8 = scf.for %while3A_223 = %sub3A to %while3A_153 step %while3A_154 iter_args(%while3A_224 = %broadcast_in_dim3A_134, %while3A_225 = %broadcast_in_dim3A_136, %while3A_226 = %broadcast_in_dim3A_138, %while3A_227 = %broadcast_in_dim3A_140, %while3A_228 = %broadcast_in_dim3A_142, %while3A_229 = %broadcast_in_dim3A_144, %while3A_230 = %broadcast_in_dim3A_146, %while3A_231 = %broadcast_in_dim3A_148) -> (vector<16xf32>, vector<16xf32>, vector<16xf32>, vector<16xf32>, vector<16xf32>, vector<16xf32>, vector<16xf32>, vector<16xf32>)  : i32 {
            %while3A_232 = arith.subi %sub3A_133, %sub3A_125 : i32
            %while3A_233 = arith.addi %sub3A_125, %while3A_232 : i32
            %while3A_234 = arith.constant 1 : i32
            %while3A_235 = arith.divsi %while3A_232, %while3A_234 : i32
            %while3A_236 = arith.muli %while3A_235, %while3A_234 : i32
            %while3A_237 = arith.addi %sub3A_125, %while3A_236 : i32
            %while3A_238 = arith.constant 1 : i32
            %while3A_239:8 = scf.for %while3A_242 = %sub3A_125 to %while3A_237 step %while3A_238 iter_args(%while3A_243 = %while3A_224, %while3A_244 = %while3A_225, %while3A_245 = %while3A_226, %while3A_246 = %while3A_227, %while3A_247 = %while3A_228, %while3A_248 = %while3A_229, %while3A_249 = %while3A_230, %while3A_250 = %while3A_231) -> (vector<16xf32>, vector<16xf32>, vector<16xf32>, vector<16xf32>, vector<16xf32>, vector<16xf32>, vector<16xf32>, vector<16xf32>)  : i32 {
              %get3A_251 = arith.constant 0 : i32
              %get3A_252 = arith.index_cast %while3A_223 : i32 to index
              %get3A_253 = arith.index_cast %while3A_242 : i32 to index
              %get3A_254 = arith.index_cast %get3A_251 : i32 to index
              %get3A_255 = arith.constant 0 : index
              %get3A_256 = tpu.vector_load %arg7[%get3A_252, %get3A_253, %get3A_254, %get3A_255] {strides = array<i32>} : memref<16x16x8x16xf32, #tpu.memory_space<vmem>>, vector<16xf32>,
              %max3A = arith.maximumf %while3A_243, %get3A_256 : vector<16xf32>
              %get3A_257 = arith.constant 1 : i32
              %get3A_258 = arith.index_cast %while3A_223 : i32 to index
              %get3A_259 = arith.index_cast %while3A_242 : i32 to index
              %get3A_260 = arith.index_cast %get3A_257 : i32 to index
              %get3A_261 = arith.constant 0 : index
              %get3A_262 = tpu.vector_load %arg7[%get3A_258, %get3A_259, %get3A_260, %get3A_261] {strides = array<i32>} : memref<16x16x8x16xf32, #tpu.memory_space<vmem>>, vector<16xf32>,
              %max3A_263 = arith.maximumf %while3A_244, %get3A_262 : vector<16xf32>
              %get3A_264 = arith.constant 2 : i32
              %get3A_265 = arith.index_cast %while3A_223 : i32 to index
              %get3A_266 = arith.index_cast %while3A_242 : i32 to index
              %get3A_267 = arith.index_cast %get3A_264 : i32 to index
              %get3A_268 = arith.constant 0 : index
              %get3A_269 = tpu.vector_load %arg7[%get3A_265, %get3A_266, %get3A_267, %get3A_268] {strides = array<i32>} : memref<16x16x8x16xf32, #tpu.memory_space<vmem>>, vector<16xf32>,
              %max3A_270 = arith.maximumf %while3A_245, %get3A_269 : vector<16xf32>
              %get3A_271 = arith.constant 3 : i32
              %get3A_272 = arith.index_cast %while3A_223 : i32 to index
              %get3A_273 = arith.index_cast %while3A_242 : i32 to index
              %get3A_274 = arith.index_cast %get3A_271 : i32 to index
              %get3A_275 = arith.constant 0 : index
              %get3A_276 = tpu.vector_load %arg7[%get3A_272, %get3A_273, %get3A_274, %get3A_275] {strides = array<i32>} : memref<16x16x8x16xf32, #tpu.memory_space<vmem>>, vector<16xf32>,
              %max3A_277 = arith.maximumf %while3A_246, %get3A_276 : vector<16xf32>
              %get3A_278 = arith.constant 4 : i32
              %get3A_279 = arith.index_cast %while3A_223 : i32 to index
              %get3A_280 = arith.index_cast %while3A_242 : i32 to index
              %get3A_281 = arith.index_cast %get3A_278 : i32 to index
              %get3A_282 = arith.constant 0 : index
              %get3A_283 = tpu.vector_load %arg7[%get3A_279, %get3A_280, %get3A_281, %get3A_282] {strides = array<i32>} : memref<16x16x8x16xf32, #tpu.memory_space<vmem>>, vector<16xf32>,
              %max3A_284 = arith.maximumf %while3A_247, %get3A_283 : vector<16xf32>
              %get3A_285 = arith.constant 5 : i32
              %get3A_286 = arith.index_cast %while3A_223 : i32 to index
              %get3A_287 = arith.index_cast %while3A_242 : i32 to index
              %get3A_288 = arith.index_cast %get3A_285 : i32 to index
              %get3A_289 = arith.constant 0 : index
              %get3A_290 = tpu.vector_load %arg7[%get3A_286, %get3A_287, %get3A_288, %get3A_289] {strides = array<i32>} : memref<16x16x8x16xf32, #tpu.memory_space<vmem>>, vector<16xf32>,
              %max3A_291 = arith.maximumf %while3A_248, %get3A_290 : vector<16xf32>
              %get3A_292 = arith.constant 6 : i32
              %get3A_293 = arith.index_cast %while3A_223 : i32 to index
              %get3A_294 = arith.index_cast %while3A_242 : i32 to index
              %get3A_295 = arith.index_cast %get3A_292 : i32 to index
              %get3A_296 = arith.constant 0 : index
              %get3A_297 = tpu.vector_load %arg7[%get3A_293, %get3A_294, %get3A_295, %get3A_296] {strides = array<i32>} : memref<16x16x8x16xf32, #tpu.memory_space<vmem>>, vector<16xf32>,
              %max3A_298 = arith.maximumf %while3A_249, %get3A_297 : vector<16xf32>
              %get3A_299 = arith.constant 7 : i32
              %get3A_300 = arith.index_cast %while3A_223 : i32 to index
              %get3A_301 = arith.index_cast %while3A_242 : i32 to index
              %get3A_302 = arith.index_cast %get3A_299 : i32 to index
              %get3A_303 = arith.constant 0 : index
              %get3A_304 = tpu.vector_load %arg7[%get3A_300, %get3A_301, %get3A_302, %get3A_303] {strides = array<i32>} : memref<16x16x8x16xf32, #tpu.memory_space<vmem>>, vector<16xf32>,
              %max3A_305 = arith.maximumf %while3A_250, %get3A_304 : vector<16xf32>
              scf.yield %max3A, %max3A_263, %max3A_270, %max3A_277, %max3A_284, %max3A_291, %max3A_298, %max3A_305 : vector<16xf32>, vector<16xf32>, vector<16xf32>, vector<16xf32>, vector<16xf32>, vector<16xf32>, vector<16xf32>, vector<16xf32>
            }
            %while3A_240 = arith.constant 1 : i32
            %while3A_241:8 = scf.for %while3A_242 = %while3A_237 to %while3A_233 step %while3A_240 iter_args(%while3A_243 = %while3A_239#0, %while3A_244 = %while3A_239#1, %while3A_245 = %while3A_239#2, %while3A_246 = %while3A_239#3, %while3A_247 = %while3A_239#4, %while3A_248 = %while3A_239#5, %while3A_249 = %while3A_239#6, %while3A_250 = %while3A_239#7) -> (vector<16xf32>, vector<16xf32>, vector<16xf32>, vector<16xf32>, vector<16xf32>, vector<16xf32>, vector<16xf32>, vector<16xf32>)  : i32 {
              %get3A_251 = arith.constant 0 : i32
              %get3A_252 = arith.index_cast %while3A_223 : i32 to index
              %get3A_253 = arith.index_cast %while3A_242 : i32 to index
              %get3A_254 = arith.index_cast %get3A_251 : i32 to index
              %get3A_255 = arith.constant 0 : index
              %get3A_256 = tpu.vector_load %arg7[%get3A_252, %get3A_253, %get3A_254, %get3A_255] {strides = array<i32>} : memref<16x16x8x16xf32, #tpu.memory_space<vmem>>, vector<16xf32>,
              %max3A = arith.maximumf %while3A_243, %get3A_256 : vector<16xf32>
              %get3A_257 = arith.constant 1 : i32
              %get3A_258 = arith.index_cast %while3A_223 : i32 to index
              %get3A_259 = arith.index_cast %while3A_242 : i32 to index
              %get3A_260 = arith.index_cast %get3A_257 : i32 to index
              %get3A_261 = arith.constant 0 : index
              %get3A_262 = tpu.vector_load %arg7[%get3A_258, %get3A_259, %get3A_260, %get3A_261] {strides = array<i32>} : memref<16x16x8x16xf32, #tpu.memory_space<vmem>>, vector<16xf32>,
              %max3A_263 = arith.maximumf %while3A_244, %get3A_262 : vector<16xf32>
              %get3A_264 = arith.constant 2 : i32
              %get3A_265 = arith.index_cast %while3A_223 : i32 to index
              %get3A_266 = arith.index_cast %while3A_242 : i32 to index
              %get3A_267 = arith.index_cast %get3A_264 : i32 to index
              %get3A_268 = arith.constant 0 : index
              %get3A_269 = tpu.vector_load %arg7[%get3A_265, %get3A_266, %get3A_267, %get3A_268] {strides = array<i32>} : memref<16x16x8x16xf32, #tpu.memory_space<vmem>>, vector<16xf32>,
              %max3A_270 = arith.maximumf %while3A_245, %get3A_269 : vector<16xf32>
              %get3A_271 = arith.constant 3 : i32
              %get3A_272 = arith.index_cast %while3A_223 : i32 to index
              %get3A_273 = arith.index_cast %while3A_242 : i32 to index
              %get3A_274 = arith.index_cast %get3A_271 : i32 to index
              %get3A_275 = arith.constant 0 : index
              %get3A_276 = tpu.vector_load %arg7[%get3A_272, %get3A_273, %get3A_274, %get3A_275] {strides = array<i32>} : memref<16x16x8x16xf32, #tpu.memory_space<vmem>>, vector<16xf32>,
              %max3A_277 = arith.maximumf %while3A_246, %get3A_276 : vector<16xf32>
              %get3A_278 = arith.constant 4 : i32
              %get3A_279 = arith.index_cast %while3A_223 : i32 to index
              %get3A_280 = arith.index_cast %while3A_242 : i32 to index
              %get3A_281 = arith.index_cast %get3A_278 : i32 to index
              %get3A_282 = arith.constant 0 : index
              %get3A_283 = tpu.vector_load %arg7[%get3A_279, %get3A_280, %get3A_281, %get3A_282] {strides = array<i32>} : memref<16x16x8x16xf32, #tpu.memory_space<vmem>>, vector<16xf32>,
              %max3A_284 = arith.maximumf %while3A_247, %get3A_283 : vector<16xf32>
              %get3A_285 = arith.constant 5 : i32
              %get3A_286 = arith.index_cast %while3A_223 : i32 to index
              %get3A_287 = arith.index_cast %while3A_242 : i32 to index
              %get3A_288 = arith.index_cast %get3A_285 : i32 to index
              %get3A_289 = arith.constant 0 : index
              %get3A_290 = tpu.vector_load %arg7[%get3A_286, %get3A_287, %get3A_288, %get3A_289] {strides = array<i32>} : memref<16x16x8x16xf32, #tpu.memory_space<vmem>>, vector<16xf32>,
              %max3A_291 = arith.maximumf %while3A_248, %get3A_290 : vector<16xf32>
              %get3A_292 = arith.constant 6 : i32
              %get3A_293 = arith.index_cast %while3A_223 : i32 to index
              %get3A_294 = arith.index_cast %while3A_242 : i32 to index
              %get3A_295 = arith.index_cast %get3A_292 : i32 to index
              %get3A_296 = arith.constant 0 : index
              %get3A_297 = tpu.vector_load %arg7[%get3A_293, %get3A_294, %get3A_295, %get3A_296] {strides = array<i32>} : memref<16x16x8x16xf32, #tpu.memory_space<vmem>>, vector<16xf32>,
              %max3A_298 = arith.maximumf %while3A_249, %get3A_297 : vector<16xf32>
              %get3A_299 = arith.constant 7 : i32
              %get3A_300 = arith.index_cast %while3A_223 : i32 to index
              %get3A_301 = arith.index_cast %while3A_242 : i32 to index
              %get3A_302 = arith.index_cast %get3A_299 : i32 to index
              %get3A_303 = arith.constant 0 : index
              %get3A_304 = tpu.vector_load %arg7[%get3A_300, %get3A_301, %get3A_302, %get3A_303] {strides = array<i32>} : memref<16x16x8x16xf32, #tpu.memory_space<vmem>>, vector<16xf32>,
              %max3A_305 = arith.maximumf %while3A_250, %get3A_304 : vector<16xf32>
              scf.yield %max3A, %max3A_263, %max3A_270, %max3A_277, %max3A_284, %max3A_291, %max3A_298, %max3A_305 : vector<16xf32>, vector<16xf32>, vector<16xf32>, vector<16xf32>, vector<16xf32>, vector<16xf32>, vector<16xf32>, vector<16xf32>
            }
            scf.yield %while3A_241#0, %while3A_241#1, %while3A_241#2, %while3A_241#3, %while3A_241#4, %while3A_241#5, %while3A_241#6, %while3A_241#7 : vector<16xf32>, vector<16xf32>, vector<16xf32>, vector<16xf32>, vector<16xf32>, vector<16xf32>, vector<16xf32>, vector<16xf32>
          }
          %while3A_156 = arith.constant 1 : i32
          %while3A_157:8 = scf.for %while3A_223 = %while3A_153 to %while3A_149 step %while3A_156 iter_args(%while3A_224 = %while3A_155#0, %while3A_225 = %while3A_155#1, %while3A_226 = %while3A_155#2, %while3A_227 = %while3A_155#3, %while3A_228 = %while3A_155#4, %while3A_229 = %while3A_155#5, %while3A_230 = %while3A_155#6, %while3A_231 = %while3A_155#7) -> (vector<16xf32>, vector<16xf32>, vector<16xf32>, vector<16xf32>, vector<16xf32>, vector<16xf32>, vector<16xf32>, vector<16xf32>)  : i32 {
            %while3A_232 = arith.subi %sub3A_133, %sub3A_125 : i32
            %while3A_233 = arith.addi %sub3A_125, %while3A_232 : i32
            %while3A_234 = arith.constant 1 : i32
            %while3A_235 = arith.divsi %while3A_232, %while3A_234 : i32
            %while3A_236 = arith.muli %while3A_235, %while3A_234 : i32
            %while3A_237 = arith.addi %sub3A_125, %while3A_236 : i32
            %while3A_238 = arith.constant 1 : i32
            %while3A_239:8 = scf.for %while3A_242 = %sub3A_125 to %while3A_237 step %while3A_238 iter_args(%while3A_243 = %while3A_224, %while3A_244 = %while3A_225, %while3A_245 = %while3A_226, %while3A_246 = %while3A_227, %while3A_247 = %while3A_228, %while3A_248 = %while3A_229, %while3A_249 = %while3A_230, %while3A_250 = %while3A_231) -> (vector<16xf32>, vector<16xf32>, vector<16xf32>, vector<16xf32>, vector<16xf32>, vector<16xf32>, vector<16xf32>, vector<16xf32>)  : i32 {
              %get3A_251 = arith.constant 0 : i32
              %get3A_252 = arith.index_cast %while3A_223 : i32 to index
              %get3A_253 = arith.index_cast %while3A_242 : i32 to index
              %get3A_254 = arith.index_cast %get3A_251 : i32 to index
              %get3A_255 = arith.constant 0 : index
              %get3A_256 = tpu.vector_load %arg7[%get3A_252, %get3A_253, %get3A_254, %get3A_255] {strides = array<i32>} : memref<16x16x8x16xf32, #tpu.memory_space<vmem>>, vector<16xf32>,
              %max3A = arith.maximumf %while3A_243, %get3A_256 : vector<16xf32>
              %get3A_257 = arith.constant 1 : i32
              %get3A_258 = arith.index_cast %while3A_223 : i32 to index
              %get3A_259 = arith.index_cast %while3A_242 : i32 to index
              %get3A_260 = arith.index_cast %get3A_257 : i32 to index
              %get3A_261 = arith.constant 0 : index
              %get3A_262 = tpu.vector_load %arg7[%get3A_258, %get3A_259, %get3A_260, %get3A_261] {strides = array<i32>} : memref<16x16x8x16xf32, #tpu.memory_space<vmem>>, vector<16xf32>,
              %max3A_263 = arith.maximumf %while3A_244, %get3A_262 : vector<16xf32>
              %get3A_264 = arith.constant 2 : i32
              %get3A_265 = arith.index_cast %while3A_223 : i32 to index
              %get3A_266 = arith.index_cast %while3A_242 : i32 to index
              %get3A_267 = arith.index_cast %get3A_264 : i32 to index
              %get3A_268 = arith.constant 0 : index
              %get3A_269 = tpu.vector_load %arg7[%get3A_265, %get3A_266, %get3A_267, %get3A_268] {strides = array<i32>} : memref<16x16x8x16xf32, #tpu.memory_space<vmem>>, vector<16xf32>,
              %max3A_270 = arith.maximumf %while3A_245, %get3A_269 : vector<16xf32>
              %get3A_271 = arith.constant 3 : i32
              %get3A_272 = arith.index_cast %while3A_223 : i32 to index
              %get3A_273 = arith.index_cast %while3A_242 : i32 to index
              %get3A_274 = arith.index_cast %get3A_271 : i32 to index
              %get3A_275 = arith.constant 0 : index
              %get3A_276 = tpu.vector_load %arg7[%get3A_272, %get3A_273, %get3A_274, %get3A_275] {strides = array<i32>} : memref<16x16x8x16xf32, #tpu.memory_space<vmem>>, vector<16xf32>,
              %max3A_277 = arith.maximumf %while3A_246, %get3A_276 : vector<16xf32>
              %get3A_278 = arith.constant 4 : i32
              %get3A_279 = arith.index_cast %while3A_223 : i32 to index
              %get3A_280 = arith.index_cast %while3A_242 : i32 to index
              %get3A_281 = arith.index_cast %get3A_278 : i32 to index
              %get3A_282 = arith.constant 0 : index
              %get3A_283 = tpu.vector_load %arg7[%get3A_279, %get3A_280, %get3A_281, %get3A_282] {strides = array<i32>} : memref<16x16x8x16xf32, #tpu.memory_space<vmem>>, vector<16xf32>,
              %max3A_284 = arith.maximumf %while3A_247, %get3A_283 : vector<16xf32>
              %get3A_285 = arith.constant 5 : i32
              %get3A_286 = arith.index_cast %while3A_223 : i32 to index
              %get3A_287 = arith.index_cast %while3A_242 : i32 to index
              %get3A_288 = arith.index_cast %get3A_285 : i32 to index
              %get3A_289 = arith.constant 0 : index
              %get3A_290 = tpu.vector_load %arg7[%get3A_286, %get3A_287, %get3A_288, %get3A_289] {strides = array<i32>} : memref<16x16x8x16xf32, #tpu.memory_space<vmem>>, vector<16xf32>,
              %max3A_291 = arith.maximumf %while3A_248, %get3A_290 : vector<16xf32>
              %get3A_292 = arith.constant 6 : i32
              %get3A_293 = arith.index_cast %while3A_223 : i32 to index
              %get3A_294 = arith.index_cast %while3A_242 : i32 to index
              %get3A_295 = arith.index_cast %get3A_292 : i32 to index
              %get3A_296 = arith.constant 0 : index
              %get3A_297 = tpu.vector_load %arg7[%get3A_293, %get3A_294, %get3A_295, %get3A_296] {strides = array<i32>} : memref<16x16x8x16xf32, #tpu.memory_space<vmem>>, vector<16xf32>,
              %max3A_298 = arith.maximumf %while3A_249, %get3A_297 : vector<16xf32>
              %get3A_299 = arith.constant 7 : i32
              %get3A_300 = arith.index_cast %while3A_223 : i32 to index
              %get3A_301 = arith.index_cast %while3A_242 : i32 to index
              %get3A_302 = arith.index_cast %get3A_299 : i32 to index
              %get3A_303 = arith.constant 0 : index
              %get3A_304 = tpu.vector_load %arg7[%get3A_300, %get3A_301, %get3A_302, %get3A_303] {strides = array<i32>} : memref<16x16x8x16xf32, #tpu.memory_space<vmem>>, vector<16xf32>,
              %max3A_305 = arith.maximumf %while3A_250, %get3A_304 : vector<16xf32>
              scf.yield %max3A, %max3A_263, %max3A_270, %max3A_277, %max3A_284, %max3A_291, %max3A_298, %max3A_305 : vector<16xf32>, vector<16xf32>, vector<16xf32>, vector<16xf32>, vector<16xf32>, vector<16xf32>, vector<16xf32>, vector<16xf32>
            }
            %while3A_240 = arith.constant 1 : i32
            %while3A_241:8 = scf.for %while3A_242 = %while3A_237 to %while3A_233 step %while3A_240 iter_args(%while3A_243 = %while3A_239#0, %while3A_244 = %while3A_239#1, %while3A_245 = %while3A_239#2, %while3A_246 = %while3A_239#3, %while3A_247 = %while3A_239#4, %while3A_248 = %while3A_239#5, %while3A_249 = %while3A_239#6, %while3A_250 = %while3A_239#7) -> (vector<16xf32>, vector<16xf32>, vector<16xf32>, vector<16xf32>, vector<16xf32>, vector<16xf32>, vector<16xf32>, vector<16xf32>)  : i32 {
              %get3A_251 = arith.constant 0 : i32
              %get3A_252 = arith.index_cast %while3A_223 : i32 to index
              %get3A_253 = arith.index_cast %while3A_242 : i32 to index
              %get3A_254 = arith.index_cast %get3A_251 : i32 to index
              %get3A_255 = arith.constant 0 : index
              %get3A_256 = tpu.vector_load %arg7[%get3A_252, %get3A_253, %get3A_254, %get3A_255] {strides = array<i32>} : memref<16x16x8x16xf32, #tpu.memory_space<vmem>>, vector<16xf32>,
              %max3A = arith.maximumf %while3A_243, %get3A_256 : vector<16xf32>
              %get3A_257 = arith.constant 1 : i32
              %get3A_258 = arith.index_cast %while3A_223 : i32 to index
              %get3A_259 = arith.index_cast %while3A_242 : i32 to index
              %get3A_260 = arith.index_cast %get3A_257 : i32 to index
              %get3A_261 = arith.constant 0 : index
              %get3A_262 = tpu.vector_load %arg7[%get3A_258, %get3A_259, %get3A_260, %get3A_261] {strides = array<i32>} : memref<16x16x8x16xf32, #tpu.memory_space<vmem>>, vector<16xf32>,
              %max3A_263 = arith.maximumf %while3A_244, %get3A_262 : vector<16xf32>
              %get3A_264 = arith.constant 2 : i32
              %get3A_265 = arith.index_cast %while3A_223 : i32 to index
              %get3A_266 = arith.index_cast %while3A_242 : i32 to index
              %get3A_267 = arith.index_cast %get3A_264 : i32 to index
              %get3A_268 = arith.constant 0 : index
              %get3A_269 = tpu.vector_load %arg7[%get3A_265, %get3A_266, %get3A_267, %get3A_268] {strides = array<i32>} : memref<16x16x8x16xf32, #tpu.memory_space<vmem>>, vector<16xf32>,
              %max3A_270 = arith.maximumf %while3A_245, %get3A_269 : vector<16xf32>
              %get3A_271 = arith.constant 3 : i32
              %get3A_272 = arith.index_cast %while3A_223 : i32 to index
              %get3A_273 = arith.index_cast %while3A_242 : i32 to index
              %get3A_274 = arith.index_cast %get3A_271 : i32 to index
              %get3A_275 = arith.constant 0 : index
              %get3A_276 = tpu.vector_load %arg7[%get3A_272, %get3A_273, %get3A_274, %get3A_275] {strides = array<i32>} : memref<16x16x8x16xf32, #tpu.memory_space<vmem>>, vector<16xf32>,
              %max3A_277 = arith.maximumf %while3A_246, %get3A_276 : vector<16xf32>
              %get3A_278 = arith.constant 4 : i32
              %get3A_279 = arith.index_cast %while3A_223 : i32 to index
              %get3A_280 = arith.index_cast %while3A_242 : i32 to index
              %get3A_281 = arith.index_cast %get3A_278 : i32 to index
              %get3A_282 = arith.constant 0 : index
              %get3A_283 = tpu.vector_load %arg7[%get3A_279, %get3A_280, %get3A_281, %get3A_282] {strides = array<i32>} : memref<16x16x8x16xf32, #tpu.memory_space<vmem>>, vector<16xf32>,
              %max3A_284 = arith.maximumf %while3A_247, %get3A_283 : vector<16xf32>
              %get3A_285 = arith.constant 5 : i32
              %get3A_286 = arith.index_cast %while3A_223 : i32 to index
              %get3A_287 = arith.index_cast %while3A_242 : i32 to index
              %get3A_288 = arith.index_cast %get3A_285 : i32 to index
              %get3A_289 = arith.constant 0 : index
              %get3A_290 = tpu.vector_load %arg7[%get3A_286, %get3A_287, %get3A_288, %get3A_289] {strides = array<i32>} : memref<16x16x8x16xf32, #tpu.memory_space<vmem>>, vector<16xf32>,
              %max3A_291 = arith.maximumf %while3A_248, %get3A_290 : vector<16xf32>
              %get3A_292 = arith.constant 6 : i32
              %get3A_293 = arith.index_cast %while3A_223 : i32 to index
              %get3A_294 = arith.index_cast %while3A_242 : i32 to index
              %get3A_295 = arith.index_cast %get3A_292 : i32 to index
              %get3A_296 = arith.constant 0 : index
              %get3A_297 = tpu.vector_load %arg7[%get3A_293, %get3A_294, %get3A_295, %get3A_296] {strides = array<i32>} : memref<16x16x8x16xf32, #tpu.memory_space<vmem>>, vector<16xf32>,
              %max3A_298 = arith.maximumf %while3A_249, %get3A_297 : vector<16xf32>
              %get3A_299 = arith.constant 7 : i32
              %get3A_300 = arith.index_cast %while3A_223 : i32 to index
              %get3A_301 = arith.index_cast %while3A_242 : i32 to index
              %get3A_302 = arith.index_cast %get3A_299 : i32 to index
              %get3A_303 = arith.constant 0 : index
              %get3A_304 = tpu.vector_load %arg7[%get3A_300, %get3A_301, %get3A_302, %get3A_303] {strides = array<i32>} : memref<16x16x8x16xf32, #tpu.memory_space<vmem>>, vector<16xf32>,
              %max3A_305 = arith.maximumf %while3A_250, %get3A_304 : vector<16xf32>
              scf.yield %max3A, %max3A_263, %max3A_270, %max3A_277, %max3A_284, %max3A_291, %max3A_298, %max3A_305 : vector<16xf32>, vector<16xf32>, vector<16xf32>, vector<16xf32>, vector<16xf32>, vector<16xf32>, vector<16xf32>, vector<16xf32>
            }
            scf.yield %while3A_241#0, %while3A_241#1, %while3A_241#2, %while3A_241#3, %while3A_241#4, %while3A_241#5, %while3A_241#6, %while3A_241#7 : vector<16xf32>, vector<16xf32>, vector<16xf32>, vector<16xf32>, vector<16xf32>, vector<16xf32>, vector<16xf32>, vector<16xf32>
          }
          %le3A = arith.cmpi sle, %sub3A_133, %sub3A_125 : i32
          %le3A_158 = arith.cmpi sle, %sub3A_113, %sub3A : i32
          %or3A = arith.ori %le3A, %le3A_158 : i1
          %mul3A_159 = arith.constant 7 : i32
          %mul3A_160 = arith.muli %scan3A_100, %mul3A_159 : i32
          %add3A_161 = arith.addi %mul3A_160, %scan3A_119 : i32
          %jit3A = arith.constant 0.000000e+00 : f32
          %broadcast_in_dim3A_162 = vector.broadcast %jit3A : f32 to vector<16xf32>
          %select_n3A = arith.select %or3A, %broadcast_in_dim3A_162, %while3A_157#0 : vector<16xf32>
          %swap3A = arith.constant 8 : i32
          %swap3A_163 = arith.index_cast %add3A_161 : i32 to index
          %swap3A_164 = arith.index_cast %swap3A : i32 to index
          %swap3A_165 = arith.constant 0 : index
          %swap3A_166 = tpu.vector_load %arg10[%swap3A_163, %swap3A_164, %swap3A_165] {strides = array<i32>} : memref<49x16x16xf32, #tpu.memory_space<vmem>>, vector<16xf32>,
          tpu.vector_store %arg10[%swap3A_163, %swap3A_164, %swap3A_165], %select_n3A {strides = array<i32>} : memref<49x16x16xf32, #tpu.memory_space<vmem>>, vector<16xf32>,
          %jit3A_167 = arith.constant 0.000000e+00 : f32
          %broadcast_in_dim3A_168 = vector.broadcast %jit3A_167 : f32 to vector<16xf32>
          %select_n3A_169 = arith.select %or3A, %broadcast_in_dim3A_168, %while3A_157#1 : vector<16xf32>
          %swap3A_170 = arith.constant 9 : i32
          %swap3A_171 = arith.index_cast %add3A_161 : i32 to index
          %swap3A_172 = arith.index_cast %swap3A_170 : i32 to index
          %swap3A_173 = arith.constant 0 : index
          %swap3A_174 = tpu.vector_load %arg10[%swap3A_171, %swap3A_172, %swap3A_173] {strides = array<i32>} : memref<49x16x16xf32, #tpu.memory_space<vmem>>, vector<16xf32>,
          tpu.vector_store %arg10[%swap3A_171, %swap3A_172, %swap3A_173], %select_n3A_169 {strides = array<i32>} : memref<49x16x16xf32, #tpu.memory_space<vmem>>, vector<16xf32>,
          %jit3A_175 = arith.constant 0.000000e+00 : f32
          %broadcast_in_dim3A_176 = vector.broadcast %jit3A_175 : f32 to vector<16xf32>
          %select_n3A_177 = arith.select %or3A, %broadcast_in_dim3A_176, %while3A_157#2 : vector<16xf32>
          %swap3A_178 = arith.constant 10 : i32
          %swap3A_179 = arith.index_cast %add3A_161 : i32 to index
          %swap3A_180 = arith.index_cast %swap3A_178 : i32 to index
          %swap3A_181 = arith.constant 0 : index
          %swap3A_182 = tpu.vector_load %arg10[%swap3A_179, %swap3A_180, %swap3A_181] {strides = array<i32>} : memref<49x16x16xf32, #tpu.memory_space<vmem>>, vector<16xf32>,
          tpu.vector_store %arg10[%swap3A_179, %swap3A_180, %swap3A_181], %select_n3A_177 {strides = array<i32>} : memref<49x16x16xf32, #tpu.memory_space<vmem>>, vector<16xf32>,
          %jit3A_183 = arith.constant 0.000000e+00 : f32
          %broadcast_in_dim3A_184 = vector.broadcast %jit3A_183 : f32 to vector<16xf32>
          %select_n3A_185 = arith.select %or3A, %broadcast_in_dim3A_184, %while3A_157#3 : vector<16xf32>
          %swap3A_186 = arith.constant 11 : i32
          %swap3A_187 = arith.index_cast %add3A_161 : i32 to index
          %swap3A_188 = arith.index_cast %swap3A_186 : i32 to index
          %swap3A_189 = arith.constant 0 : index
          %swap3A_190 = tpu.vector_load %arg10[%swap3A_187, %swap3A_188, %swap3A_189] {strides = array<i32>} : memref<49x16x16xf32, #tpu.memory_space<vmem>>, vector<16xf32>,
          tpu.vector_store %arg10[%swap3A_187, %swap3A_188, %swap3A_189], %select_n3A_185 {strides = array<i32>} : memref<49x16x16xf32, #tpu.memory_space<vmem>>, vector<16xf32>,
          %jit3A_191 = arith.constant 0.000000e+00 : f32
          %broadcast_in_dim3A_192 = vector.broadcast %jit3A_191 : f32 to vector<16xf32>
          %select_n3A_193 = arith.select %or3A, %broadcast_in_dim3A_192, %while3A_157#4 : vector<16xf32>
          %swap3A_194 = arith.constant 12 : i32
          %swap3A_195 = arith.index_cast %add3A_161 : i32 to index
          %swap3A_196 = arith.index_cast %swap3A_194 : i32 to index
          %swap3A_197 = arith.constant 0 : index
          %swap3A_198 = tpu.vector_load %arg10[%swap3A_195, %swap3A_196, %swap3A_197] {strides = array<i32>} : memref<49x16x16xf32, #tpu.memory_space<vmem>>, vector<16xf32>,
          tpu.vector_store %arg10[%swap3A_195, %swap3A_196, %swap3A_197], %select_n3A_193 {strides = array<i32>} : memref<49x16x16xf32, #tpu.memory_space<vmem>>, vector<16xf32>,
          %jit3A_199 = arith.constant 0.000000e+00 : f32
          %broadcast_in_dim3A_200 = vector.broadcast %jit3A_199 : f32 to vector<16xf32>
          %select_n3A_201 = arith.select %or3A, %broadcast_in_dim3A_200, %while3A_157#5 : vector<16xf32>
          %swap3A_202 = arith.constant 13 : i32
          %swap3A_203 = arith.index_cast %add3A_161 : i32 to index
          %swap3A_204 = arith.index_cast %swap3A_202 : i32 to index
          %swap3A_205 = arith.constant 0 : index
          %swap3A_206 = tpu.vector_load %arg10[%swap3A_203, %swap3A_204, %swap3A_205] {strides = array<i32>} : memref<49x16x16xf32, #tpu.memory_space<vmem>>, vector<16xf32>,
          tpu.vector_store %arg10[%swap3A_203, %swap3A_204, %swap3A_205], %select_n3A_201 {strides = array<i32>} : memref<49x16x16xf32, #tpu.memory_space<vmem>>, vector<16xf32>,
          %jit3A_207 = arith.constant 0.000000e+00 : f32
          %broadcast_in_dim3A_208 = vector.broadcast %jit3A_207 : f32 to vector<16xf32>
          %select_n3A_209 = arith.select %or3A, %broadcast_in_dim3A_208, %while3A_157#6 : vector<16xf32>
          %swap3A_210 = arith.constant 14 : i32
          %swap3A_211 = arith.index_cast %add3A_161 : i32 to index
          %swap3A_212 = arith.index_cast %swap3A_210 : i32 to index
          %swap3A_213 = arith.constant 0 : index
          %swap3A_214 = tpu.vector_load %arg10[%swap3A_211, %swap3A_212, %swap3A_213] {strides = array<i32>} : memref<49x16x16xf32, #tpu.memory_space<vmem>>, vector<16xf32>,
          tpu.vector_store %arg10[%swap3A_211, %swap3A_212, %swap3A_213], %select_n3A_209 {strides = array<i32>} : memref<49x16x16xf32, #tpu.memory_space<vmem>>, vector<16xf32>,
          %jit3A_215 = arith.constant 0.000000e+00 : f32
          %broadcast_in_dim3A_216 = vector.broadcast %jit3A_215 : f32 to vector<16xf32>
          %select_n3A_217 = arith.select %or3A, %broadcast_in_dim3A_216, %while3A_157#7 : vector<16xf32>
          %swap3A_218 = arith.constant 15 : i32
          %swap3A_219 = arith.index_cast %add3A_161 : i32 to index
          %swap3A_220 = arith.index_cast %swap3A_218 : i32 to index
          %swap3A_221 = arith.constant 0 : index
          %swap3A_222 = tpu.vector_load %arg10[%swap3A_219, %swap3A_220, %swap3A_221] {strides = array<i32>} : memref<49x16x16xf32, #tpu.memory_space<vmem>>, vector<16xf32>,
          tpu.vector_store %arg10[%swap3A_219, %swap3A_220, %swap3A_221], %select_n3A_217 {strides = array<i32>} : memref<49x16x16xf32, #tpu.memory_space<vmem>>, vector<16xf32>,
        }
        %scan3A_118 = arith.constant 7 : i32
      }
      %scan3A_98 = arith.constant 7 : i32
      %add3A_99 = arith.addi %mul3A_2, %scan3A_31 : i32
      "tpu.region"() ({
        %run_scoped3A = tpu.sem_alloc : memref<!tpu.dma_semaphore, #tpu.memory_space<semaphore_mem>>
        %dma_start3A_100 = arith.constant 0 : i32
        %dma_start3A_101 = arith.constant 0 : i32
        %dma_start3A_102 = arith.constant 0 : i32
        %dma_start3A_103 = tpu.memref_slice %arg5[%dma_start3A_100, %add3A_99, %dma_start3A_101, %dma_start3A_102] : memref<49x1152x16x16xf32, #tpu.memory_space<hbm>> -> memref<49x1x16x16xf32, #tpu.memory_space<hbm>>
        %dma_start3A_104 = tpu.memref_squeeze %dma_start3A_103 : memref<49x1x16x16xf32, #tpu.memory_space<hbm>> -> memref<49x16x16xf32, #tpu.memory_space<hbm>>
        %dma_start3A_105 = arith.constant 0 : i32
        %dma_start3A_106 = arith.constant 0 : i32
        %dma_start3A_107 = arith.constant 0 : i32
        %dma_start3A_108 = tpu.memref_slice %arg5[%dma_start3A_105, %add3A_99, %dma_start3A_106, %dma_start3A_107] : memref<49x1152x16x16xf32, #tpu.memory_space<hbm>> -> memref<49x1x16x16xf32, #tpu.memory_space<hbm>>
        %dma_start3A_109 = tpu.memref_squeeze %dma_start3A_108 : memref<49x1x16x16xf32, #tpu.memory_space<hbm>> -> memref<49x16x16xf32, #tpu.memory_space<hbm>>
        tpu.enqueue_dma source(%arg10 : memref<49x16x16xf32, #tpu.memory_space<vmem>>) target(%dma_start3A_109 : memref<49x16x16xf32, #tpu.memory_space<hbm>>) target_semaphore(%run_scoped3A : memref<!tpu.dma_semaphore, #tpu.memory_space<semaphore_mem>>)
        %dma_wait3A_110 = arith.constant 0 : i32
        %dma_wait3A_111 = arith.constant 0 : i32
        %dma_wait3A_112 = arith.constant 0 : i32
        %dma_wait3A_113 = tpu.memref_slice %arg5[%dma_wait3A_110, %add3A_99, %dma_wait3A_111, %dma_wait3A_112] : memref<49x1152x16x16xf32, #tpu.memory_space<hbm>> -> memref<49x1x16x16xf32, #tpu.memory_space<hbm>>
        %dma_wait3A_114 = tpu.memref_squeeze %dma_wait3A_113 : memref<49x1x16x16xf32, #tpu.memory_space<hbm>> -> memref<49x16x16xf32, #tpu.memory_space<hbm>>
        %dma_wait3A_115 = arith.constant 0 : i32
        %dma_wait3A_116 = arith.constant 0 : i32
        %dma_wait3A_117 = arith.constant 0 : i32
        %dma_wait3A_118 = tpu.memref_slice %arg5[%dma_wait3A_115, %add3A_99, %dma_wait3A_116, %dma_wait3A_117] : memref<49x1152x16x16xf32, #tpu.memory_space<hbm>> -> memref<49x1x16x16xf32, #tpu.memory_space<hbm>>
        %dma_wait3A_119 = tpu.memref_squeeze %dma_wait3A_118 : memref<49x1x16x16xf32, #tpu.memory_space<hbm>> -> memref<49x16x16xf32, #tpu.memory_space<hbm>>
        tpu.wait_dma2 semaphore(%run_scoped3A : memref<!tpu.dma_semaphore, #tpu.memory_space<semaphore_mem>>) src(%arg10 : memref<49x16x16xf32, #tpu.memory_space<vmem>>) dst(%dma_wait3A_119 : memref<49x16x16xf32, #tpu.memory_space<hbm>>)
        tpu.yield
      }) : () -> ()
    }
    %scan3A_21 = arith.constant 36 : i32
    %dma_wait3A = arith.constant 0 : i32
    %dma_wait3A_22 = arith.constant 0 : i32
    %dma_wait3A_23 = arith.constant 0 : i32
    %dma_wait3A_24 = arith.constant 0 : i32
    %dma_wait3A_25 = tpu.memref_slice %arg2[%dma_wait3A, %dma_wait3A_22, %dma_wait3A_23, %dma_wait3A_24] : memref<38x50x16x16xf32, #tpu.memory_space<hbm>> -> memref<16x16x8x16xf32, #tpu.memory_space<hbm>>
    %dma_wait3A_26 = arith.constant 0 : i32
    %dma_wait3A_27 = arith.constant 0 : i32
    %dma_wait3A_28 = arith.constant 0 : i32
    %dma_wait3A_29 = arith.constant 0 : i32
    %dma_wait3A_30 = tpu.memref_slice %arg2[%dma_wait3A_26, %dma_wait3A_27, %dma_wait3A_28, %dma_wait3A_29] : memref<38x50x16x16xf32, #tpu.memory_space<hbm>> -> memref<16x16x8x16xf32, #tpu.memory_space<hbm>>
    tpu.wait_dma2 semaphore(%arg11 : memref<!tpu.dma_semaphore, #tpu.memory_space<semaphore_mem>>) src(%dma_wait3A_30 : memref<16x16x8x16xf32, #tpu.memory_space<hbm>>) dst(%arg6 : memref<16x16x8x16xf32, #tpu.memory_space<vmem>>)
    return
  }
}

module attributes {stable_mosaic.version = 14 : i64} {
  func.func @_anchor_body(%arg0: i32, %arg1: memref<16x5xf32, #tpu.memory_space<vmem>>, %arg2: memref<128x5xf32, #tpu.memory_space<vmem>>, %arg3: memref<1x2xf32, #tpu.memory_space<smem>>, %arg4: memref<16x9xf32, #tpu.memory_space<vmem>>, %arg5: memref<16x9xf32, #tpu.memory_space<vmem>>, %arg6: memref<16x9xf32, #tpu.memory_space<vmem>>, %arg7: memref<16x9xf32, #tpu.memory_space<vmem>>, %arg8: memref<16x9x16xi32, #tpu.memory_space<vmem>>, %arg9: memref<16x9x16xi32, #tpu.memory_space<vmem>>) attributes {dimension_semantics = [#tpu.dimension_semantics<arbitrary>], iteration_bounds = array<i64: 8>, scalar_prefetch = 0 : i64, scratch_operands = 0 : i64, tpu.core_type = #tpu.core_type<tc>, window_params = [{transform_indices = @transform_0, window_bounds = array<i64: 16, 5>}, {pipeline_mode = #tpu.pipeline_mode<synchronous>, transform_indices = @transform_1, window_bounds = array<i64: 128, 5>}, {transform_indices = @transform_2, window_bounds = array<i64: 1, 2>}, {transform_indices = @transform_3, window_bounds = array<i64: 16, 9>}, {transform_indices = @transform_4, window_bounds = array<i64: 16, 9>}, {transform_indices = @transform_5, window_bounds = array<i64: 16, 9>}, {transform_indices = @transform_6, window_bounds = array<i64: 16, 9>}, {transform_indices = @transform_7, window_bounds = array<i64: 16, 9, 16>}, {transform_indices = @transform_8, window_bounds = array<i64: 16, 9, 16>}]} {
    %get3A = arith.constant 0 : index
    %get3A_0 = arith.constant 0 : index
    %get3A_1 = vector.load %arg1[%get3A, %get3A_0] : memref<16x5xf32, #tpu.memory_space<vmem>>, vector<16x5xf32>
    %get3A_2 = arith.constant 0 : index
    %get3A_3 = arith.constant 0 : index
    %get3A_4 = vector.load %arg2[%get3A_2, %get3A_3] : memref<128x5xf32, #tpu.memory_space<vmem>>, vector<128x5xf32>
    %get3A_5 = arith.constant 0 : index
    %get3A_6 = arith.constant 0 : index
    %get3A_7 = memref.load %arg3[%get3A_5, %get3A_6] : memref<1x2xf32, #tpu.memory_space<smem>>
    %get3A_8 = arith.constant 0 : index
    %get3A_9 = arith.constant 1 : index
    %get3A_10 = memref.load %arg3[%get3A_8, %get3A_9] : memref<1x2xf32, #tpu.memory_space<smem>>
    %slice3A = vector.extract_strided_slice %get3A_1 {offsets = [0, 1], sizes = [16, 1], strides = [1, 1]} : vector<16x5xf32> to vector<16x1xf32>
    %slice3A_11 = vector.extract_strided_slice %get3A_1 {offsets = [0, 2], sizes = [16, 1], strides = [1, 1]} : vector<16x5xf32> to vector<16x1xf32>
    %slice3A_12 = vector.extract_strided_slice %get3A_1 {offsets = [0, 3], sizes = [16, 1], strides = [1, 1]} : vector<16x5xf32> to vector<16x1xf32>
    %slice3A_13 = vector.extract_strided_slice %get3A_1 {offsets = [0, 4], sizes = [16, 1], strides = [1, 1]} : vector<16x5xf32> to vector<16x1xf32>
    %sub3A = arith.subf %slice3A_12, %slice3A : vector<16x1xf32>
    %sub3A_14 = arith.subf %slice3A_13, %slice3A_11 : vector<16x1xf32>
    %iota3A = tpu.iota {dimensions = array<i32: 1>} : vector<1x8xi32>
    %ge3A = arith.constant 4 : i32
    %ge3A_15 = vector.broadcast %ge3A : i32 to vector<1x8xi32>
    %ge3A_16 = arith.cmpi sge, %iota3A, %ge3A_15 : vector<1x8xi32>
    %add3A = arith.constant 1 : i32
    %add3A_17 = vector.broadcast %add3A : i32 to vector<1x8xi32>
    %add3A_18 = arith.addi %iota3A, %add3A_17 : vector<1x8xi32>
    %select_n3A = arith.select %ge3A_16, %add3A_18, %iota3A : vector<1x8xi1>, vector<1x8xi32>
    %jit3A = arith.constant 3 : i32
    %eq3A = arith.constant 0 : i32
    %eq3A_19 = arith.cmpi eq, %jit3A, %eq3A : i32
    %jit3A_20 = arith.constant 1 : i32
    %select_n3A_21 = arith.select %eq3A_19, %jit3A_20, %jit3A : i32
    %rem3A = vector.broadcast %select_n3A_21 : i32 to vector<1x8xi32>
    %rem3A_22 = arith.remsi %select_n3A, %rem3A : vector<1x8xi32>
    %ne3A = arith.constant 0 : i32
    %ne3A_23 = vector.broadcast %ne3A : i32 to vector<1x8xi32>
    %ne3A_24 = arith.cmpi ne, %rem3A_22, %ne3A_23 : vector<1x8xi32>
    %lt3A = arith.constant 0 : i32
    %lt3A_25 = vector.broadcast %lt3A : i32 to vector<1x8xi32>
    %lt3A_26 = arith.cmpi slt, %rem3A_22, %lt3A_25 : vector<1x8xi32>
    %lt3A_27 = arith.constant 0 : i32
    %lt3A_28 = arith.cmpi slt, %select_n3A_21, %lt3A_27 : i32
    %ne3A_29 = vector.broadcast %lt3A_28 : i1 to vector<1x8xi1>
    %ne3A_30 = vector.broadcast %ne3A_29 : vector<1x8xi1> to vector<1x8xi1>
    %ne3A_31 = arith.xori %lt3A_26, %ne3A_30 : vector<1x8xi1>
    %and3A = arith.andi %ne3A_31, %ne3A_24 : vector<1x8xi1>
    %add3A_32 = vector.broadcast %select_n3A_21 : i32 to vector<1x8xi32>
    %add3A_33 = arith.addi %rem3A_22, %add3A_32 : vector<1x8xi32>
    %select_n3A_34 = arith.select %and3A, %add3A_33, %rem3A_22 : vector<1x8xi1>, vector<1x8xi32>
    %convert_element_type3A = arith.sitofp %select_n3A_34 : vector<1x8xi32> to vector<1x8xf32>
    %jit3A_35 = arith.constant 3 : i32
    %div3A = vector.broadcast %jit3A_35 : i32 to vector<1x8xi32>
    %div3A_36 = arith.divsi %select_n3A, %div3A : vector<1x8xi32>
    %sign3A = arith.constant 0 : i32
    %sign3A_37 = vector.broadcast %sign3A : i32 to vector<1x8xi32>
    %sign3A_38 = arith.cmpi sgt, %select_n3A, %sign3A_37 : vector<1x8xi32>
    %sign3A_39 = arith.extui %sign3A_38 : vector<1x8xi1> to vector<1x8xi32>
    %sign3A_40 = arith.constant 0 : i32
    %sign3A_41 = vector.broadcast %sign3A_40 : i32 to vector<1x8xi32>
    %sign3A_42 = arith.cmpi slt, %select_n3A, %sign3A_41 : vector<1x8xi32>
    %sign3A_43 = arith.extui %sign3A_42 : vector<1x8xi1> to vector<1x8xi32>
    %sign3A_44 = arith.subi %sign3A_39, %sign3A_43 : vector<1x8xi32>
    %sign3A_45 = arith.constant 0 : i32
    %sign3A_46 = arith.cmpi sgt, %jit3A_35, %sign3A_45 : i32
    %sign3A_47 = arith.extui %sign3A_46 : i1 to i32
    %sign3A_48 = arith.constant 0 : i32
    %sign3A_49 = arith.cmpi slt, %jit3A_35, %sign3A_48 : i32
    %sign3A_50 = arith.extui %sign3A_49 : i1 to i32
    %sign3A_51 = arith.subi %sign3A_47, %sign3A_50 : i32
    %ne3A_52 = vector.broadcast %sign3A_51 : i32 to vector<1x8xi32>
    %ne3A_53 = arith.cmpi ne, %sign3A_44, %ne3A_52 : vector<1x8xi32>
    %rem3A_54 = vector.broadcast %jit3A_35 : i32 to vector<1x8xi32>
    %rem3A_55 = arith.remsi %select_n3A, %rem3A_54 : vector<1x8xi32>
    %ne3A_56 = arith.constant 0 : i32
    %ne3A_57 = vector.broadcast %ne3A_56 : i32 to vector<1x8xi32>
    %ne3A_58 = arith.cmpi ne, %rem3A_55, %ne3A_57 : vector<1x8xi32>
    %and3A_59 = arith.andi %ne3A_53, %ne3A_58 : vector<1x8xi1>
    %sub3A_60 = arith.constant 1 : i32
    %sub3A_61 = vector.broadcast %sub3A_60 : i32 to vector<1x8xi32>
    %sub3A_62 = arith.subi %div3A_36, %sub3A_61 : vector<1x8xi32>
    %select_n3A_63 = arith.select %and3A_59, %sub3A_62, %div3A_36 : vector<1x8xi1>, vector<1x8xi32>
    %convert_element_type3A_64 = arith.sitofp %select_n3A_63 : vector<1x8xi32> to vector<1x8xf32>
    %sub3A_65 = arith.subf %slice3A, %sub3A : vector<16x1xf32>
    %mul3A = vector.broadcast %sub3A : vector<16x1xf32> to vector<16x8xf32>
    %mul3A_66 = vector.broadcast %convert_element_type3A : vector<1x8xf32> to vector<16x8xf32>
    %mul3A_67 = arith.mulf %mul3A, %mul3A_66 : vector<16x8xf32>
    %add3A_68 = vector.broadcast %sub3A_65 : vector<16x1xf32> to vector<16x8xf32>
    %add3A_69 = arith.addf %add3A_68, %mul3A_67 : vector<16x8xf32>
    %div3A_70 = arith.constant 2.000000e+00 : f32
    %div3A_71 = vector.broadcast %div3A_70 : f32 to vector<16x1xf32>
    %div3A_72 = arith.divf %sub3A, %div3A_71 : vector<16x1xf32>
    %add3A_73 = vector.broadcast %div3A_72 : vector<16x1xf32> to vector<16x8xf32>
    %add3A_74 = arith.addf %add3A_69, %add3A_73 : vector<16x8xf32>
    %sub3A_75 = arith.subf %slice3A_11, %sub3A_14 : vector<16x1xf32>
    %mul3A_76 = vector.broadcast %sub3A_14 : vector<16x1xf32> to vector<16x8xf32>
    %mul3A_77 = vector.broadcast %convert_element_type3A_64 : vector<1x8xf32> to vector<16x8xf32>
    %mul3A_78 = arith.mulf %mul3A_76, %mul3A_77 : vector<16x8xf32>
    %add3A_79 = vector.broadcast %sub3A_75 : vector<16x1xf32> to vector<16x8xf32>
    %add3A_80 = arith.addf %add3A_79, %mul3A_78 : vector<16x8xf32>
    %div3A_81 = arith.constant 2.000000e+00 : f32
    %div3A_82 = vector.broadcast %div3A_81 : f32 to vector<16x1xf32>
    %div3A_83 = arith.divf %sub3A_14, %div3A_82 : vector<16x1xf32>
    %add3A_84 = vector.broadcast %div3A_83 : vector<16x1xf32> to vector<16x8xf32>
    %add3A_85 = arith.addf %add3A_80, %add3A_84 : vector<16x8xf32>
    %div3A_86 = arith.constant 4.000000e+00 : f32
    %div3A_87 = vector.broadcast %div3A_86 : f32 to vector<16x1xf32>
    %div3A_88 = arith.divf %sub3A, %div3A_87 : vector<16x1xf32>
    %sub3A_89 = vector.broadcast %div3A_88 : vector<16x1xf32> to vector<16x8xf32>
    %sub3A_90 = arith.subf %add3A_74, %sub3A_89 : vector<16x8xf32>
    %div3A_91 = arith.constant 4.000000e+00 : f32
    %div3A_92 = vector.broadcast %div3A_91 : f32 to vector<16x1xf32>
    %div3A_93 = arith.divf %sub3A_14, %div3A_92 : vector<16x1xf32>
    %sub3A_94 = vector.broadcast %div3A_93 : vector<16x1xf32> to vector<16x8xf32>
    %sub3A_95 = arith.subf %add3A_85, %sub3A_94 : vector<16x8xf32>
    %div3A_96 = arith.constant 4.000000e+00 : f32
    %div3A_97 = vector.broadcast %div3A_96 : f32 to vector<16x1xf32>
    %div3A_98 = arith.divf %sub3A, %div3A_97 : vector<16x1xf32>
    %add3A_99 = vector.broadcast %div3A_98 : vector<16x1xf32> to vector<16x8xf32>
    %add3A_100 = arith.addf %add3A_74, %add3A_99 : vector<16x8xf32>
    %div3A_101 = arith.constant 4.000000e+00 : f32
    %div3A_102 = vector.broadcast %div3A_101 : f32 to vector<16x1xf32>
    %div3A_103 = arith.divf %sub3A_14, %div3A_102 : vector<16x1xf32>
    %add3A_104 = vector.broadcast %div3A_103 : vector<16x1xf32> to vector<16x8xf32>
    %add3A_105 = arith.addf %add3A_85, %add3A_104 : vector<16x8xf32>
    %sub3A_106 = arith.subf %add3A_100, %sub3A_90 : vector<16x8xf32>
    %add3A_107 = arith.constant 1.000000e+00 : f32
    %add3A_108 = vector.broadcast %add3A_107 : f32 to vector<16x8xf32>
    %add3A_109 = arith.addf %sub3A_106, %add3A_108 : vector<16x8xf32>
    %sub3A_110 = arith.subf %add3A_105, %sub3A_95 : vector<16x8xf32>
    %add3A_111 = arith.constant 1.000000e+00 : f32
    %add3A_112 = vector.broadcast %add3A_111 : f32 to vector<16x8xf32>
    %add3A_113 = arith.addf %sub3A_110, %add3A_112 : vector<16x8xf32>
    %lt3A_114 = arith.constant 0.000000e+00 : f32
    %lt3A_115 = vector.broadcast %lt3A_114 : f32 to vector<16x8xf32>
    %lt3A_116 = arith.cmpf olt, %sub3A_90, %lt3A_115 : vector<16x8xf32>
    %lt3A_117 = arith.constant 0.000000e+00 : f32
    %lt3A_118 = vector.broadcast %lt3A_117 : f32 to vector<16x8xf32>
    %lt3A_119 = arith.cmpf olt, %sub3A_95, %lt3A_118 : vector<16x8xf32>
    %or3A = arith.ori %lt3A_116, %lt3A_119 : vector<16x8xi1>
    %ge3A_120 = vector.broadcast %get3A_10 : f32 to vector<16x8xf32>
    %ge3A_121 = arith.cmpf oge, %add3A_100, %ge3A_120 : vector<16x8xf32>
    %or3A_122 = arith.ori %or3A, %ge3A_121 : vector<16x8xi1>
    %ge3A_123 = vector.broadcast %get3A_7 : f32 to vector<16x8xf32>
    %ge3A_124 = arith.cmpf oge, %add3A_105, %ge3A_123 : vector<16x8xf32>
    %or3A_125 = arith.ori %or3A_122, %ge3A_124 : vector<16x8xi1>
    %lt3A_126 = arith.constant 1.600000e+01 : f32
    %lt3A_127 = vector.broadcast %lt3A_126 : f32 to vector<16x8xf32>
    %lt3A_128 = arith.cmpf olt, %add3A_109, %lt3A_127 : vector<16x8xf32>
    %or3A_129 = arith.ori %or3A_125, %lt3A_128 : vector<16x8xi1>
    %lt3A_130 = arith.constant 1.600000e+01 : f32
    %lt3A_131 = vector.broadcast %lt3A_130 : f32 to vector<16x8xf32>
    %lt3A_132 = arith.cmpf olt, %add3A_113, %lt3A_131 : vector<16x8xf32>
    %or3A_133 = arith.ori %or3A_129, %lt3A_132 : vector<16x8xi1>
    %broadcast_in_dim3A = vector.shape_cast %slice3A : vector<16x1xf32> to vector<16x1xf32>
    %broadcast_in_dim3A_134 = vector.broadcast %broadcast_in_dim3A : vector<16x1xf32> to vector<16x8xf32>
    %select_n3A_135 = arith.select %or3A_133, %broadcast_in_dim3A_134, %sub3A_90 : vector<16x8xi1>, vector<16x8xf32>
    %broadcast_in_dim3A_136 = vector.shape_cast %slice3A_11 : vector<16x1xf32> to vector<16x1xf32>
    %broadcast_in_dim3A_137 = vector.broadcast %broadcast_in_dim3A_136 : vector<16x1xf32> to vector<16x8xf32>
    %select_n3A_138 = arith.select %or3A_133, %broadcast_in_dim3A_137, %sub3A_95 : vector<16x8xi1>, vector<16x8xf32>
    %broadcast_in_dim3A_139 = vector.shape_cast %slice3A_12 : vector<16x1xf32> to vector<16x1xf32>
    %broadcast_in_dim3A_140 = vector.broadcast %broadcast_in_dim3A_139 : vector<16x1xf32> to vector<16x8xf32>
    %select_n3A_141 = arith.select %or3A_133, %broadcast_in_dim3A_140, %add3A_100 : vector<16x8xi1>, vector<16x8xf32>
    %broadcast_in_dim3A_142 = vector.shape_cast %slice3A_13 : vector<16x1xf32> to vector<16x1xf32>
    %broadcast_in_dim3A_143 = vector.broadcast %broadcast_in_dim3A_142 : vector<16x1xf32> to vector<16x8xf32>
    %select_n3A_144 = arith.select %or3A_133, %broadcast_in_dim3A_143, %add3A_105 : vector<16x8xi1>, vector<16x8xf32>
    %slice3A_145 = vector.extract_strided_slice %get3A_4 {offsets = [0, 1], sizes = [128, 1], strides = [1, 1]} : vector<128x5xf32> to vector<128x1xf32>
    %squeeze3A = vector.shape_cast %slice3A_145 : vector<128x1xf32> to vector<128xf32>
    %reshape3A = vector.shape_cast %squeeze3A : vector<128xf32> to vector<1x1x128xf32>
    %slice3A_146 = vector.extract_strided_slice %get3A_4 {offsets = [0, 2], sizes = [128, 1], strides = [1, 1]} : vector<128x5xf32> to vector<128x1xf32>
    %squeeze3A_147 = vector.shape_cast %slice3A_146 : vector<128x1xf32> to vector<128xf32>
    %reshape3A_148 = vector.shape_cast %squeeze3A_147 : vector<128xf32> to vector<1x1x128xf32>
    %slice3A_149 = vector.extract_strided_slice %get3A_4 {offsets = [0, 3], sizes = [128, 1], strides = [1, 1]} : vector<128x5xf32> to vector<128x1xf32>
    %squeeze3A_150 = vector.shape_cast %slice3A_149 : vector<128x1xf32> to vector<128xf32>
    %reshape3A_151 = vector.shape_cast %squeeze3A_150 : vector<128xf32> to vector<1x1x128xf32>
    %slice3A_152 = vector.extract_strided_slice %get3A_4 {offsets = [0, 4], sizes = [128, 1], strides = [1, 1]} : vector<128x5xf32> to vector<128x1xf32>
    %squeeze3A_153 = vector.shape_cast %slice3A_152 : vector<128x1xf32> to vector<128xf32>
    %reshape3A_154 = vector.shape_cast %squeeze3A_153 : vector<128xf32> to vector<1x1x128xf32>
    %sub3A_155 = arith.subf %reshape3A_151, %reshape3A : vector<1x1x128xf32>
    %add3A_156 = arith.constant 1.000000e+00 : f32
    %add3A_157 = vector.broadcast %add3A_156 : f32 to vector<1x1x128xf32>
    %add3A_158 = arith.addf %sub3A_155, %add3A_157 : vector<1x1x128xf32>
    %sub3A_159 = arith.subf %reshape3A_154, %reshape3A_148 : vector<1x1x128xf32>
    %add3A_160 = arith.constant 1.000000e+00 : f32
    %add3A_161 = vector.broadcast %add3A_160 : f32 to vector<1x1x128xf32>
    %add3A_162 = arith.addf %sub3A_159, %add3A_161 : vector<1x1x128xf32>
    %mul3A_163 = arith.mulf %add3A_158, %add3A_162 : vector<1x1x128xf32>
    %broadcast_in_dim3A_164 = vector.shape_cast %select_n3A_135 : vector<16x8xf32> to vector<16x8x1xf32>
    %broadcast_in_dim3A_165 = vector.shape_cast %select_n3A_138 : vector<16x8xf32> to vector<16x8x1xf32>
    %broadcast_in_dim3A_166 = vector.shape_cast %select_n3A_141 : vector<16x8xf32> to vector<16x8x1xf32>
    %broadcast_in_dim3A_167 = vector.shape_cast %select_n3A_144 : vector<16x8xf32> to vector<16x8x1xf32>
    %sub3A_168 = arith.subf %select_n3A_141, %select_n3A_135 : vector<16x8xf32>
    %add3A_169 = arith.constant 1.000000e+00 : f32
    %add3A_170 = vector.broadcast %add3A_169 : f32 to vector<16x8xf32>
    %add3A_171 = arith.addf %sub3A_168, %add3A_170 : vector<16x8xf32>
    %sub3A_172 = arith.subf %select_n3A_144, %select_n3A_138 : vector<16x8xf32>
    %add3A_173 = arith.constant 1.000000e+00 : f32
    %add3A_174 = vector.broadcast %add3A_173 : f32 to vector<16x8xf32>
    %add3A_175 = arith.addf %sub3A_172, %add3A_174 : vector<16x8xf32>
    %mul3A_176 = arith.mulf %add3A_171, %add3A_175 : vector<16x8xf32>
    %broadcast_in_dim3A_177 = vector.shape_cast %mul3A_176 : vector<16x8xf32> to vector<16x8x1xf32>
    %min3A = vector.broadcast %reshape3A_151 : vector<1x1x128xf32> to vector<16x8x128xf32>
    %min3A_178 = vector.broadcast %broadcast_in_dim3A_166 : vector<16x8x1xf32> to vector<16x8x128xf32>
    %min3A_179 = arith.minimumf %min3A, %min3A_178 : vector<16x8x128xf32>
    %max3A = vector.broadcast %reshape3A : vector<1x1x128xf32> to vector<16x8x128xf32>
    %max3A_180 = vector.broadcast %broadcast_in_dim3A_164 : vector<16x8x1xf32> to vector<16x8x128xf32>
    %max3A_181 = arith.maximumf %max3A, %max3A_180 : vector<16x8x128xf32>
    %sub3A_182 = arith.subf %min3A_179, %max3A_181 : vector<16x8x128xf32>
    %add3A_183 = arith.constant 1.000000e+00 : f32
    %add3A_184 = vector.broadcast %add3A_183 : f32 to vector<16x8x128xf32>
    %add3A_185 = arith.addf %sub3A_182, %add3A_184 : vector<16x8x128xf32>
    %max3A_186 = arith.constant 0.000000e+00 : f32
    %max3A_187 = vector.broadcast %max3A_186 : f32 to vector<16x8x128xf32>
    %max3A_188 = arith.maximumf %add3A_185, %max3A_187 : vector<16x8x128xf32>
    %min3A_189 = vector.broadcast %reshape3A_154 : vector<1x1x128xf32> to vector<16x8x128xf32>
    %min3A_190 = vector.broadcast %broadcast_in_dim3A_167 : vector<16x8x1xf32> to vector<16x8x128xf32>
    %min3A_191 = arith.minimumf %min3A_189, %min3A_190 : vector<16x8x128xf32>
    %max3A_192 = vector.broadcast %reshape3A_148 : vector<1x1x128xf32> to vector<16x8x128xf32>
    %max3A_193 = vector.broadcast %broadcast_in_dim3A_165 : vector<16x8x1xf32> to vector<16x8x128xf32>
    %max3A_194 = arith.maximumf %max3A_192, %max3A_193 : vector<16x8x128xf32>
    %sub3A_195 = arith.subf %min3A_191, %max3A_194 : vector<16x8x128xf32>
    %add3A_196 = arith.constant 1.000000e+00 : f32
    %add3A_197 = vector.broadcast %add3A_196 : f32 to vector<16x8x128xf32>
    %add3A_198 = arith.addf %sub3A_195, %add3A_197 : vector<16x8x128xf32>
    %max3A_199 = arith.constant 0.000000e+00 : f32
    %max3A_200 = vector.broadcast %max3A_199 : f32 to vector<16x8x128xf32>
    %max3A_201 = arith.maximumf %add3A_198, %max3A_200 : vector<16x8x128xf32>
    %mul3A_202 = arith.mulf %max3A_188, %max3A_201 : vector<16x8x128xf32>
    %add3A_203 = vector.broadcast %mul3A_163 : vector<1x1x128xf32> to vector<16x8x128xf32>
    %add3A_204 = vector.broadcast %broadcast_in_dim3A_177 : vector<16x8x1xf32> to vector<16x8x128xf32>
    %add3A_205 = arith.addf %add3A_203, %add3A_204 : vector<16x8x128xf32>
    %sub3A_206 = arith.subf %add3A_205, %mul3A_202 : vector<16x8x128xf32>
    %div3A_207 = arith.divf %mul3A_202, %sub3A_206 : vector<16x8x128xf32>
    %eq3A_208 = arith.constant 1.000000e+00 : f32
    %eq3A_209 = vector.broadcast %eq3A_208 : f32 to vector<16x8xf32>
    %eq3A_210 = arith.cmpf oeq, %add3A_171, %eq3A_209 : vector<16x8xf32>
    %eq3A_211 = arith.constant 1.000000e+00 : f32
    %eq3A_212 = vector.broadcast %eq3A_211 : f32 to vector<16x8xf32>
    %eq3A_213 = arith.cmpf oeq, %add3A_175, %eq3A_212 : vector<16x8xf32>
    %and3A_214 = arith.andi %eq3A_210, %eq3A_213 : vector<16x8xi1>
    %convert_element_type3A_215 = arith.extui %and3A_214 : vector<16x8xi1> to vector<16x8xi32>
    %convert_element_type3A_216 = arith.sitofp %convert_element_type3A_215 : vector<16x8xi32> to vector<16x8xf32>
    %broadcast_in_dim3A_217 = vector.shape_cast %convert_element_type3A_216 : vector<16x8xf32> to vector<16x8x1xf32>
    %eq3A_218 = arith.constant 1.000000e+00 : f32
    %eq3A_219 = vector.broadcast %eq3A_218 : f32 to vector<1x1x128xf32>
    %eq3A_220 = arith.cmpf oeq, %add3A_158, %eq3A_219 : vector<1x1x128xf32>
    %eq3A_221 = arith.constant 1.000000e+00 : f32
    %eq3A_222 = vector.broadcast %eq3A_221 : f32 to vector<1x1x128xf32>
    %eq3A_223 = arith.cmpf oeq, %add3A_162, %eq3A_222 : vector<1x1x128xf32>
    %and3A_224 = arith.andi %eq3A_220, %eq3A_223 : vector<1x1x128xi1>
    %eq3A_225 = arith.constant 1.000000e+00 : f32
    %eq3A_226 = vector.broadcast %eq3A_225 : f32 to vector<16x8x1xf32>
    %eq3A_227 = arith.cmpf oeq, %broadcast_in_dim3A_217, %eq3A_226 : vector<16x8x1xf32>
    %jit3A_228 = arith.constant 0.000000e+00 : f32
    %broadcast_in_dim3A_229 = vector.shape_cast %eq3A_227 : vector<16x8x1xi1> to vector<16x8x1xi1>
    %broadcast_in_dim3A_230 = vector.broadcast %broadcast_in_dim3A_229 : vector<16x8x1xi1> to vector<16x8x128xi1>
    %broadcast_in_dim3A_231 = vector.broadcast %jit3A_228 : f32 to vector<16x8x128xf32>
    %select_n3A_232 = arith.select %broadcast_in_dim3A_230, %broadcast_in_dim3A_231, %div3A_207 : vector<16x8x128xi1>, vector<16x8x128xf32>
    %jit3A_233 = arith.constant -1.000000e+00 : f32
    %broadcast_in_dim3A_234 = vector.shape_cast %and3A_224 : vector<1x1x128xi1> to vector<1x1x128xi1>
    %broadcast_in_dim3A_235 = vector.broadcast %broadcast_in_dim3A_234 : vector<1x1x128xi1> to vector<16x8x128xi1>
    %broadcast_in_dim3A_236 = vector.broadcast %jit3A_233 : f32 to vector<16x8x128xf32>
    %select_n3A_237 = arith.select %broadcast_in_dim3A_235, %broadcast_in_dim3A_236, %select_n3A_232 : vector<16x8x128xi1>, vector<16x8x128xf32>
    %reduce_max3A = arith.constant dense<0xFF800000> : vector<16x8xf32>
    %reduce_max3A_238 = vector.multi_reduction <maximumf>, %select_n3A_237, %reduce_max3A [2] : vector<16x8x128xf32> to vector<16x8xf32>
    %iota3A_239 = tpu.iota {dimensions = array<i32: 2>} : vector<16x8x128xi32>
    %broadcast_in_dim3A_240 = vector.shape_cast %reduce_max3A_238 : vector<16x8xf32> to vector<16x8x1xf32>
    %eq3A_241 = vector.broadcast %broadcast_in_dim3A_240 : vector<16x8x1xf32> to vector<16x8x128xf32>
    %eq3A_242 = arith.cmpf oeq, %select_n3A_237, %eq3A_241 : vector<16x8x128xf32>
    %jit3A_243 = arith.constant 256 : i32
    %broadcast_in_dim3A_244 = vector.broadcast %jit3A_243 : i32 to vector<16x8x128xi32>
    %select_n3A_245 = arith.select %eq3A_242, %iota3A_239, %broadcast_in_dim3A_244 : vector<16x8x128xi1>, vector<16x8x128xi32>
    %reduce_min3A = arith.constant dense<2147483647> : vector<16x8xi32>
    %reduce_min3A_246 = vector.multi_reduction <minsi>, %select_n3A_245, %reduce_min3A [2] : vector<16x8x128xi32> to vector<16x8xi32>
    %broadcast_in_dim3A_247 = vector.shape_cast %reduce_min3A_246 : vector<16x8xi32> to vector<16x8x1xi32>
    %eq3A_248 = vector.broadcast %broadcast_in_dim3A_247 : vector<16x8x1xi32> to vector<16x8x128xi32>
    %eq3A_249 = arith.cmpi eq, %iota3A_239, %eq3A_248 : vector<16x8x128xi32>
    %convert_element_type3A_250 = arith.extui %eq3A_249 : vector<16x8x128xi1> to vector<16x8x128xi32>
    %convert_element_type3A_251 = arith.sitofp %convert_element_type3A_250 : vector<16x8x128xi32> to vector<16x8x128xf32>
    %mul3A_252 = vector.broadcast %reshape3A : vector<1x1x128xf32> to vector<16x8x128xf32>
    %mul3A_253 = arith.mulf %convert_element_type3A_251, %mul3A_252 : vector<16x8x128xf32>
    %reduce_sum3A = arith.constant dense<0.000000e+00> : vector<16x8xf32>
    %reduce_sum3A_254 = vector.multi_reduction <add>, %mul3A_253, %reduce_sum3A [2] : vector<16x8x128xf32> to vector<16x8xf32>
    %mul3A_255 = vector.broadcast %reshape3A_148 : vector<1x1x128xf32> to vector<16x8x128xf32>
    %mul3A_256 = arith.mulf %convert_element_type3A_251, %mul3A_255 : vector<16x8x128xf32>
    %reduce_sum3A_257 = arith.constant dense<0.000000e+00> : vector<16x8xf32>
    %reduce_sum3A_258 = vector.multi_reduction <add>, %mul3A_256, %reduce_sum3A_257 [2] : vector<16x8x128xf32> to vector<16x8xf32>
    %mul3A_259 = vector.broadcast %reshape3A_151 : vector<1x1x128xf32> to vector<16x8x128xf32>
    %mul3A_260 = arith.mulf %convert_element_type3A_251, %mul3A_259 : vector<16x8x128xf32>
    %reduce_sum3A_261 = arith.constant dense<0.000000e+00> : vector<16x8xf32>
    %reduce_sum3A_262 = vector.multi_reduction <add>, %mul3A_260, %reduce_sum3A_261 [2] : vector<16x8x128xf32> to vector<16x8xf32>
    %mul3A_263 = vector.broadcast %reshape3A_154 : vector<1x1x128xf32> to vector<16x8x128xf32>
    %mul3A_264 = arith.mulf %convert_element_type3A_251, %mul3A_263 : vector<16x8x128xf32>
    %reduce_sum3A_265 = arith.constant dense<0.000000e+00> : vector<16x8xf32>
    %reduce_sum3A_266 = vector.multi_reduction <add>, %mul3A_264, %reduce_sum3A_265 [2] : vector<16x8x128xf32> to vector<16x8xf32>
    %eq3A_267 = arith.constant 0.000000e+00 : f32
    %eq3A_268 = vector.broadcast %eq3A_267 : f32 to vector<16x8xf32>
    %eq3A_269 = arith.cmpf oeq, %reduce_max3A_238, %eq3A_268 : vector<16x8xf32>
    %jit3A_270 = arith.constant 9.99999974E-6 : f32
    %broadcast_in_dim3A_271 = vector.broadcast %jit3A_270 : f32 to vector<16x8xf32>
    %select_n3A_272 = arith.select %eq3A_269, %broadcast_in_dim3A_271, %reduce_max3A_238 : vector<16x8xi1>, vector<16x8xf32>
    %ge3A_273 = arith.constant 3.000000e-01 : f32
    %ge3A_274 = vector.broadcast %ge3A_273 : f32 to vector<16x8xf32>
    %ge3A_275 = arith.cmpf oge, %select_n3A_272, %ge3A_274 : vector<16x8xf32>
    %jit3A_276 = arith.constant 1.000000e+00 : f32
    %jit3A_277 = arith.constant 0.000000e+00 : f32
    %broadcast_in_dim3A_278 = vector.broadcast %jit3A_276 : f32 to vector<16x8xf32>
    %broadcast_in_dim3A_279 = vector.broadcast %jit3A_277 : f32 to vector<16x8xf32>
    %select_n3A_280 = arith.select %ge3A_275, %broadcast_in_dim3A_278, %broadcast_in_dim3A_279 : vector<16x8xi1>, vector<16x8xf32>
    %sub3A_281 = arith.subf %select_n3A_141, %select_n3A_135 : vector<16x8xf32>
    %sub3A_282 = arith.subf %select_n3A_144, %select_n3A_138 : vector<16x8xf32>
    %max3A_283 = arith.maximumf %sub3A_281, %sub3A_282 : vector<16x8xf32>
    %min3A_284 = arith.minimumf %sub3A_281, %sub3A_282 : vector<16x8xf32>
    %eq3A_285 = arith.constant 1.000000e+00 : f32
    %eq3A_286 = vector.broadcast %eq3A_285 : f32 to vector<16x8xf32>
    %eq3A_287 = arith.cmpf oeq, %select_n3A_280, %eq3A_286 : vector<16x8xf32>
    %sub3A_288 = arith.subf %reduce_sum3A_262, %reduce_sum3A_254 : vector<16x8xf32>
    %sub3A_289 = arith.subf %reduce_sum3A_266, %reduce_sum3A_258 : vector<16x8xf32>
    %jit3A_290 = arith.constant 0.000000e+00 : f32
    %broadcast_in_dim3A_291 = vector.broadcast %jit3A_290 : f32 to vector<16x8xf32>
    %select_n3A_292 = arith.select %eq3A_287, %sub3A_288, %broadcast_in_dim3A_291 : vector<16x8xi1>, vector<16x8xf32>
    %jit3A_293 = arith.constant 0.000000e+00 : f32
    %broadcast_in_dim3A_294 = vector.broadcast %jit3A_293 : f32 to vector<16x8xf32>
    %select_n3A_295 = arith.select %eq3A_287, %sub3A_289, %broadcast_in_dim3A_294 : vector<16x8xi1>, vector<16x8xf32>
    %max3A_296 = arith.maximumf %select_n3A_292, %select_n3A_295 : vector<16x8xf32>
    %min3A_297 = arith.minimumf %select_n3A_292, %select_n3A_295 : vector<16x8xf32>
    %ge3A_298 = arith.cmpf oge, %max3A_296, %max3A_283 : vector<16x8xf32>
    %jit3A_299 = arith.constant 0.000000e+00 : f32
    %broadcast_in_dim3A_300 = vector.broadcast %jit3A_299 : f32 to vector<16x8xf32>
    %select_n3A_301 = arith.select %ge3A_298, %broadcast_in_dim3A_300, %select_n3A_280 : vector<16x8xi1>, vector<16x8xf32>
    %mul3A_302 = arith.constant 0.333333343 : f32
    %mul3A_303 = vector.broadcast %mul3A_302 : f32 to vector<16x8xf32>
    %mul3A_304 = arith.mulf %mul3A_303, %min3A_284 : vector<16x8xf32>
    %lt3A_305 = arith.cmpf olt, %min3A_297, %mul3A_304 : vector<16x8xf32>
    %jit3A_306 = arith.constant 0.000000e+00 : f32
    %broadcast_in_dim3A_307 = vector.broadcast %jit3A_306 : f32 to vector<16x8xf32>
    %select_n3A_308 = arith.select %lt3A_305, %broadcast_in_dim3A_307, %select_n3A_301 : vector<16x8xi1>, vector<16x8xf32>
    %eq3A_309 = arith.constant 1.000000e+00 : f32
    %eq3A_310 = vector.broadcast %eq3A_309 : f32 to vector<16x8xf32>
    %eq3A_311 = arith.cmpf oeq, %select_n3A_308, %eq3A_310 : vector<16x8xf32>
    %select_n3A_312 = arith.select %eq3A_311, %reduce_sum3A_254, %select_n3A_135 : vector<16x8xi1>, vector<16x8xf32>
    %select_n3A_313 = arith.select %eq3A_311, %reduce_sum3A_258, %select_n3A_138 : vector<16x8xi1>, vector<16x8xf32>
    %select_n3A_314 = arith.select %eq3A_311, %reduce_sum3A_262, %select_n3A_141 : vector<16x8xi1>, vector<16x8xf32>
    %select_n3A_315 = arith.select %eq3A_311, %reduce_sum3A_266, %select_n3A_144 : vector<16x8xi1>, vector<16x8xf32>
    %concatenate3A = tpu.concatenate %slice3A, %select_n3A_312 in 1 : vector<16x1xf32>, vector<16x8xf32> -> vector<16x9xf32>
    %concatenate3A_316 = tpu.concatenate %slice3A_11, %select_n3A_313 in 1 : vector<16x1xf32>, vector<16x8xf32> -> vector<16x9xf32>
    %concatenate3A_317 = tpu.concatenate %slice3A_12, %select_n3A_314 in 1 : vector<16x1xf32>, vector<16x8xf32> -> vector<16x9xf32>
    %concatenate3A_318 = tpu.concatenate %slice3A_13, %select_n3A_315 in 1 : vector<16x1xf32>, vector<16x8xf32> -> vector<16x9xf32>
    %swap3A = arith.constant 0 : index
    %swap3A_319 = arith.constant 0 : index
    %swap3A_320 = vector.load %arg4[%swap3A, %swap3A_319] : memref<16x9xf32, #tpu.memory_space<vmem>>, vector<16x9xf32>
    tpu.vector_store %arg4[%swap3A, %swap3A_319], %concatenate3A {strides = array<i32>} : memref<16x9xf32, #tpu.memory_space<vmem>>, vector<16x9xf32>,
    %swap3A_321 = arith.constant 0 : index
    %swap3A_322 = arith.constant 0 : index
    %swap3A_323 = vector.load %arg5[%swap3A_321, %swap3A_322] : memref<16x9xf32, #tpu.memory_space<vmem>>, vector<16x9xf32>
    tpu.vector_store %arg5[%swap3A_321, %swap3A_322], %concatenate3A_316 {strides = array<i32>} : memref<16x9xf32, #tpu.memory_space<vmem>>, vector<16x9xf32>,
    %swap3A_324 = arith.constant 0 : index
    %swap3A_325 = arith.constant 0 : index
    %swap3A_326 = vector.load %arg6[%swap3A_324, %swap3A_325] : memref<16x9xf32, #tpu.memory_space<vmem>>, vector<16x9xf32>
    tpu.vector_store %arg6[%swap3A_324, %swap3A_325], %concatenate3A_317 {strides = array<i32>} : memref<16x9xf32, #tpu.memory_space<vmem>>, vector<16x9xf32>,
    %swap3A_327 = arith.constant 0 : index
    %swap3A_328 = arith.constant 0 : index
    %swap3A_329 = vector.load %arg7[%swap3A_327, %swap3A_328] : memref<16x9xf32, #tpu.memory_space<vmem>>, vector<16x9xf32>
    tpu.vector_store %arg7[%swap3A_327, %swap3A_328], %concatenate3A_318 {strides = array<i32>} : memref<16x9xf32, #tpu.memory_space<vmem>>, vector<16x9xf32>,
    %mul3A_330 = arith.constant 6.250000e-02 : f32
    %mul3A_331 = vector.broadcast %mul3A_330 : f32 to vector<16x9xf32>
    %mul3A_332 = arith.mulf %concatenate3A, %mul3A_331 : vector<16x9xf32>
    %round3A = math.roundeven %mul3A_332 : vector<16x9xf32>
    %convert_element_type3A_333 = arith.fptosi %round3A : vector<16x9xf32> to vector<16x9xi32>
    %mul3A_334 = arith.constant 6.250000e-02 : f32
    %mul3A_335 = vector.broadcast %mul3A_334 : f32 to vector<16x9xf32>
    %mul3A_336 = arith.mulf %concatenate3A_316, %mul3A_335 : vector<16x9xf32>
    %round3A_337 = math.roundeven %mul3A_336 : vector<16x9xf32>
    %convert_element_type3A_338 = arith.fptosi %round3A_337 : vector<16x9xf32> to vector<16x9xi32>
    %mul3A_339 = arith.constant 6.250000e-02 : f32
    %mul3A_340 = vector.broadcast %mul3A_339 : f32 to vector<16x9xf32>
    %mul3A_341 = arith.mulf %concatenate3A_317, %mul3A_340 : vector<16x9xf32>
    %round3A_342 = math.roundeven %mul3A_341 : vector<16x9xf32>
    %convert_element_type3A_343 = arith.fptosi %round3A_342 : vector<16x9xf32> to vector<16x9xi32>
    %mul3A_344 = arith.constant 6.250000e-02 : f32
    %mul3A_345 = vector.broadcast %mul3A_344 : f32 to vector<16x9xf32>
    %mul3A_346 = arith.mulf %concatenate3A_318, %mul3A_345 : vector<16x9xf32>
    %round3A_347 = math.roundeven %mul3A_346 : vector<16x9xf32>
    %convert_element_type3A_348 = arith.fptosi %round3A_347 : vector<16x9xf32> to vector<16x9xi32>
    %sub3A_349 = arith.subi %convert_element_type3A_343, %convert_element_type3A_333 : vector<16x9xi32>
    %add3A_350 = arith.constant 1 : i32
    %add3A_351 = vector.broadcast %add3A_350 : i32 to vector<16x9xi32>
    %add3A_352 = arith.addi %sub3A_349, %add3A_351 : vector<16x9xi32>
    %max3A_353 = arith.constant 1 : i32
    %max3A_354 = vector.broadcast %max3A_353 : i32 to vector<16x9xi32>
    %max3A_355 = arith.maxsi %add3A_352, %max3A_354 : vector<16x9xi32>
    %convert_element_type3A_356 = arith.sitofp %max3A_355 : vector<16x9xi32> to vector<16x9xf32>
    %sub3A_357 = arith.subi %convert_element_type3A_348, %convert_element_type3A_338 : vector<16x9xi32>
    %add3A_358 = arith.constant 1 : i32
    %add3A_359 = vector.broadcast %add3A_358 : i32 to vector<16x9xi32>
    %add3A_360 = arith.addi %sub3A_357, %add3A_359 : vector<16x9xi32>
    %max3A_361 = arith.constant 1 : i32
    %max3A_362 = vector.broadcast %max3A_361 : i32 to vector<16x9xi32>
    %max3A_363 = arith.maxsi %add3A_360, %max3A_362 : vector<16x9xi32>
    %convert_element_type3A_364 = arith.sitofp %max3A_363 : vector<16x9xi32> to vector<16x9xf32>
    %div3A_365 = arith.constant 7.000000e+00 : f32
    %div3A_366 = vector.broadcast %div3A_365 : f32 to vector<16x9xf32>
    %div3A_367 = arith.divf %convert_element_type3A_356, %div3A_366 : vector<16x9xf32>
    %broadcast_in_dim3A_368 = vector.shape_cast %div3A_367 : vector<16x9xf32> to vector<16x9x1xf32>
    %div3A_369 = arith.constant 7.000000e+00 : f32
    %div3A_370 = vector.broadcast %div3A_369 : f32 to vector<16x9xf32>
    %div3A_371 = arith.divf %convert_element_type3A_364, %div3A_370 : vector<16x9xf32>
    %broadcast_in_dim3A_372 = vector.shape_cast %div3A_371 : vector<16x9xf32> to vector<16x9x1xf32>
    %iota3A_373 = tpu.iota {dimensions = array<i32: 2>} : vector<16x9x7xi32>
    %convert_element_type3A_374 = arith.sitofp %iota3A_373 : vector<16x9x7xi32> to vector<16x9x7xf32>
    %broadcast_in_dim3A_375 = vector.shape_cast %convert_element_type3A_338 : vector<16x9xi32> to vector<16x9x1xi32>
    %broadcast_in_dim3A_376 = vector.shape_cast %convert_element_type3A_333 : vector<16x9xi32> to vector<16x9x1xi32>
    %mul3A_377 = vector.broadcast %broadcast_in_dim3A_372 : vector<16x9x1xf32> to vector<16x9x7xf32>
    %mul3A_378 = arith.mulf %convert_element_type3A_374, %mul3A_377 : vector<16x9x7xf32>
    %floor3A = math.floor %mul3A_378 : vector<16x9x7xf32>
    %convert_element_type3A_379 = arith.fptosi %floor3A : vector<16x9x7xf32> to vector<16x9x7xi32>
    %add3A_380 = vector.broadcast %broadcast_in_dim3A_375 : vector<16x9x1xi32> to vector<16x9x7xi32>
    %add3A_381 = arith.addi %convert_element_type3A_379, %add3A_380 : vector<16x9x7xi32>
    %jit3A_382 = arith.constant 0 : i32
    %jit3A_383 = arith.constant 38 : i32
    %max3A_384 = vector.broadcast %jit3A_382 : i32 to vector<16x9x7xi32>
    %max3A_385 = arith.maxsi %max3A_384, %add3A_381 : vector<16x9x7xi32>
    %min3A_386 = vector.broadcast %jit3A_383 : i32 to vector<16x9x7xi32>
    %min3A_387 = arith.minsi %min3A_386, %max3A_385 : vector<16x9x7xi32>
    %add3A_388 = arith.constant 1.000000e+00 : f32
    %add3A_389 = vector.broadcast %add3A_388 : f32 to vector<16x9x7xf32>
    %add3A_390 = arith.addf %convert_element_type3A_374, %add3A_389 : vector<16x9x7xf32>
    %mul3A_391 = vector.broadcast %broadcast_in_dim3A_372 : vector<16x9x1xf32> to vector<16x9x7xf32>
    %mul3A_392 = arith.mulf %add3A_390, %mul3A_391 : vector<16x9x7xf32>
    %ceil3A = math.ceil %mul3A_392 : vector<16x9x7xf32>
    %convert_element_type3A_393 = arith.fptosi %ceil3A : vector<16x9x7xf32> to vector<16x9x7xi32>
    %add3A_394 = vector.broadcast %broadcast_in_dim3A_375 : vector<16x9x1xi32> to vector<16x9x7xi32>
    %add3A_395 = arith.addi %convert_element_type3A_393, %add3A_394 : vector<16x9x7xi32>
    %jit3A_396 = arith.constant 0 : i32
    %jit3A_397 = arith.constant 38 : i32
    %max3A_398 = vector.broadcast %jit3A_396 : i32 to vector<16x9x7xi32>
    %max3A_399 = arith.maxsi %max3A_398, %add3A_395 : vector<16x9x7xi32>
    %min3A_400 = vector.broadcast %jit3A_397 : i32 to vector<16x9x7xi32>
    %min3A_401 = arith.minsi %min3A_400, %max3A_399 : vector<16x9x7xi32>
    %mul3A_402 = vector.broadcast %broadcast_in_dim3A_368 : vector<16x9x1xf32> to vector<16x9x7xf32>
    %mul3A_403 = arith.mulf %convert_element_type3A_374, %mul3A_402 : vector<16x9x7xf32>
    %floor3A_404 = math.floor %mul3A_403 : vector<16x9x7xf32>
    %convert_element_type3A_405 = arith.fptosi %floor3A_404 : vector<16x9x7xf32> to vector<16x9x7xi32>
    %add3A_406 = vector.broadcast %broadcast_in_dim3A_376 : vector<16x9x1xi32> to vector<16x9x7xi32>
    %add3A_407 = arith.addi %convert_element_type3A_405, %add3A_406 : vector<16x9x7xi32>
    %jit3A_408 = arith.constant 0 : i32
    %jit3A_409 = arith.constant 50 : i32
    %max3A_410 = vector.broadcast %jit3A_408 : i32 to vector<16x9x7xi32>
    %max3A_411 = arith.maxsi %max3A_410, %add3A_407 : vector<16x9x7xi32>
    %min3A_412 = vector.broadcast %jit3A_409 : i32 to vector<16x9x7xi32>
    %min3A_413 = arith.minsi %min3A_412, %max3A_411 : vector<16x9x7xi32>
    %add3A_414 = arith.constant 1.000000e+00 : f32
    %add3A_415 = vector.broadcast %add3A_414 : f32 to vector<16x9x7xf32>
    %add3A_416 = arith.addf %convert_element_type3A_374, %add3A_415 : vector<16x9x7xf32>
    %mul3A_417 = vector.broadcast %broadcast_in_dim3A_368 : vector<16x9x1xf32> to vector<16x9x7xf32>
    %mul3A_418 = arith.mulf %add3A_416, %mul3A_417 : vector<16x9x7xf32>
    %ceil3A_419 = math.ceil %mul3A_418 : vector<16x9x7xf32>
    %convert_element_type3A_420 = arith.fptosi %ceil3A_419 : vector<16x9x7xf32> to vector<16x9x7xi32>
    %add3A_421 = vector.broadcast %broadcast_in_dim3A_376 : vector<16x9x1xi32> to vector<16x9x7xi32>
    %add3A_422 = arith.addi %convert_element_type3A_420, %add3A_421 : vector<16x9x7xi32>
    %jit3A_423 = arith.constant 0 : i32
    %jit3A_424 = arith.constant 50 : i32
    %max3A_425 = vector.broadcast %jit3A_423 : i32 to vector<16x9x7xi32>
    %max3A_426 = arith.maxsi %max3A_425, %add3A_422 : vector<16x9x7xi32>
    %min3A_427 = vector.broadcast %jit3A_424 : i32 to vector<16x9x7xi32>
    %min3A_428 = arith.minsi %min3A_427, %max3A_426 : vector<16x9x7xi32>
    %min3A_429 = arith.constant 22 : i32
    %min3A_430 = vector.broadcast %min3A_429 : i32 to vector<16x9xi32>
    %min3A_431 = arith.minsi %convert_element_type3A_338, %min3A_430 : vector<16x9xi32>
    %broadcast_in_dim3A_432 = vector.shape_cast %min3A_431 : vector<16x9xi32> to vector<16x9x1xi32>
    %min3A_433 = arith.constant 34 : i32
    %min3A_434 = vector.broadcast %min3A_433 : i32 to vector<16x9xi32>
    %min3A_435 = arith.minsi %convert_element_type3A_333, %min3A_434 : vector<16x9xi32>
    %broadcast_in_dim3A_436 = vector.shape_cast %min3A_435 : vector<16x9xi32> to vector<16x9x1xi32>
    %broadcast_in_dim3A_437 = arith.constant 0 : i32
    %broadcast_in_dim3A_438 = vector.broadcast %broadcast_in_dim3A_437 : i32 to vector<16x9x1xi32>
    %concatenate3A_439 = tpu.concatenate %min3A_387, %min3A_401, %broadcast_in_dim3A_432, %broadcast_in_dim3A_438 in 2 : vector<16x9x7xi32>, vector<16x9x7xi32>, vector<16x9x1xi32>, vector<16x9x1xi32> -> vector<16x9x16xi32>
    %swap3A_440 = arith.constant 0 : index
    %swap3A_441 = arith.constant 0 : index
    %swap3A_442 = arith.constant 0 : index
    %swap3A_443 = vector.load %arg8[%swap3A_440, %swap3A_441, %swap3A_442] : memref<16x9x16xi32, #tpu.memory_space<vmem>>, vector<16x9x16xi32>
    tpu.vector_store %arg8[%swap3A_440, %swap3A_441, %swap3A_442], %concatenate3A_439 {strides = array<i32>} : memref<16x9x16xi32, #tpu.memory_space<vmem>>, vector<16x9x16xi32>,
    %concatenate3A_444 = tpu.concatenate %min3A_413, %min3A_428, %broadcast_in_dim3A_436, %broadcast_in_dim3A_438 in 2 : vector<16x9x7xi32>, vector<16x9x7xi32>, vector<16x9x1xi32>, vector<16x9x1xi32> -> vector<16x9x16xi32>
    %swap3A_445 = arith.constant 0 : index
    %swap3A_446 = arith.constant 0 : index
    %swap3A_447 = arith.constant 0 : index
    %swap3A_448 = vector.load %arg9[%swap3A_445, %swap3A_446, %swap3A_447] : memref<16x9x16xi32, #tpu.memory_space<vmem>>, vector<16x9x16xi32>
    tpu.vector_store %arg9[%swap3A_445, %swap3A_446, %swap3A_447], %concatenate3A_444 {strides = array<i32>} : memref<16x9x16xi32, #tpu.memory_space<vmem>>, vector<16x9x16xi32>,
    return
  }
  func.func @transform_0(%arg0: i32) -> (i32, i32) {
    %c0_i32 = arith.constant 0 : i32
    %c0_i32_0 = arith.constant 0 : i32
    return %arg0, %c0_i32 : i32, i32
  }
  func.func @transform_1(%arg0: i32) -> (i32, i32) {
    %c0_i32 = arith.constant 0 : i32
    %c0_i32_0 = arith.constant 0 : i32
    %c0_i32_1 = arith.constant 0 : i32
    return %c0_i32, %c0_i32_0 : i32, i32
  }
  func.func @transform_2(%arg0: i32) -> (i32, i32) {
    %c0_i32 = arith.constant 0 : i32
    %c0_i32_0 = arith.constant 0 : i32
    %c0_i32_1 = arith.constant 0 : i32
    return %c0_i32, %c0_i32_0 : i32, i32
  }
  func.func @transform_3(%arg0: i32) -> (i32, i32) {
    %c0_i32 = arith.constant 0 : i32
    %c0_i32_0 = arith.constant 0 : i32
    return %arg0, %c0_i32 : i32, i32
  }
  func.func @transform_4(%arg0: i32) -> (i32, i32) {
    %c0_i32 = arith.constant 0 : i32
    %c0_i32_0 = arith.constant 0 : i32
    return %arg0, %c0_i32 : i32, i32
  }
  func.func @transform_5(%arg0: i32) -> (i32, i32) {
    %c0_i32 = arith.constant 0 : i32
    %c0_i32_0 = arith.constant 0 : i32
    return %arg0, %c0_i32 : i32, i32
  }
  func.func @transform_6(%arg0: i32) -> (i32, i32) {
    %c0_i32 = arith.constant 0 : i32
    %c0_i32_0 = arith.constant 0 : i32
    return %arg0, %c0_i32 : i32, i32
  }
  func.func @transform_7(%arg0: i32) -> (i32, i32, i32) {
    %c0_i32 = arith.constant 0 : i32
    %c0_i32_0 = arith.constant 0 : i32
    %c0_i32_1 = arith.constant 0 : i32
    return %arg0, %c0_i32, %c0_i32_0 : i32, i32, i32
  }
  func.func @transform_8(%arg0: i32) -> (i32, i32, i32) {
    %c0_i32 = arith.constant 0 : i32
    %c0_i32_0 = arith.constant 0 : i32
    %c0_i32_1 = arith.constant 0 : i32
    return %arg0, %c0_i32, %c0_i32_0 : i32, i32, i32
  }
}

</mosaic_0001>

<sc_bundles>
// kernel: kernel.4.cloned.1.call-start
scs
__scs_entry_jumppad:
0x0: {  	(pc) =	sbr.rel $0x88, $3  }
0x1: {  	(tag) =	ssettag $0x0;
	lr =	simm.s32 $0x1  }
0x2: {  	[smem:$0x3F9D] =	sst lr;
	_ =	strace $0xD0000000  }
0x3: {  	_ = 	snop  }
0x4: {  	_ = 	snop  }
0x5: {  	_ = 	snop  }
0x6: {  	_ = 	snop  }
0x7: {  	_ = 	snop  }
__scs_overlays_trampoline_lowered:
0x8: {  	[smem:$0x3FAC] =	sst s0  }
0x9: {  	[smem:$0x3FAD] =	sst s1  }
0xa: {  	[smem:$0x3FAE] =	sst s2  }
0xb: {  	[smem:$0x3FAF] =	sst s3  }
0xc: {  	[smem:$0x3FB0] =	sst s4  }
0xd: {  	[smem:$0x3FB1] =	sst s5  }
0xe: {  	[smem:$0x3FB2] =	sst s6  }
0xf: {  	[smem:$0x3FB3] =	sst s7  }
0x10: {  	[smem:$0x3FB4] =	sst s8  }
0x11: {  	[smem:$0x3FB5] =	sst s9;
	s0 =	simm.s32 @!p0 $0x0  }
0x12: {  	s1 =	sld [smem:$0x3F9B];
	s0 =	simm.s32 @p0 $0x1  }
0x13: {  	[smem:$0x3FB6] =	sst s0;
	s0 =	simm.s32 @!p1 $0x0  }
0x14: {  	s2 =	sld [smem:$0x3F9A];
	s0 =	simm.s32 @p1 $0x1  }
0x15: {  	[smem:$0x3FB7] =	sst s0;
	s0 =	simm.s32 @!p2 $0x0  }
0x16: {  	s3 =	sld [smem:$0x3FDB];
	s0 =	simm.s32 @p2 $0x1  }
0x17: {  	s4 =	simm.s32 $0x1BF5;
	[smem:$0x3FB9] =	sst s0  }
0x18: {  	s0 =	sld [smem:$0x3F9C];
	_ =	swait.ge [sflag:s4], $0x0  }
0x19: {  	s7 =	sld [smem:$0x3F9D]  }
0x1a: {  	s8 =	sadd.s32 $0xFFFFE003, lr  }
0x1b: {  	s9 =	sadd.s32 $0xFFFFFEF7, lr;
	s5 =	simm.s32 $0xFFFFFFFF;
	p2 =	slt.u32 s8, $0xFFFFF086  }
0x1c: {  	p1 =	slt.u32 s9, $0xF7A;
	s5 =	simm.s32 @!p2 $0x0  }
0x1d: {  	s5 =	simm.s32 @p1 $0x1;
	p0 =	seq.s32 s7, s2  }
0x1e: {  	s7 =	smul.u32 @!p0 $0xF7A, s2;
	p2 =	seq.s32 @!p0 s5, $0x0  }
0x1f: {  	s9 =	smul.u32 $0xF7A, s1;
	s8 =	simm.s32 @!p0 $0x1BF5;
	p2 =	por !p2, p0  }
0x20: {  	[sflag:s8] =	ssyncset.s32 @!p0 $0xFFFFF086;
	s6 =	sadd.s32 @!p0 s3, s7;
	s7 =	simm.s32 @!p0 $0x108  }
0x21: {  	s3 =	sadd.s32 s3, s9;
	s6 =	sadd.s32 @!p0 $0x88, s6;
	s7 =	simm.s32 @p2 $0x1082  }
0x22: {  	[simem:s7], [sflag:s8] =	dma.local @!p0 [hbm:s6], $0xF7A  }
0x23: {  	s9 =	sor.u32 $0xD0000000, s2;
	s6 =	simm.s32 $0x108;
	_ =	swait.ge @!p0 [sflag:s8], $0x0  }
0x24: {  	s3 =	sadd.s32 $0x88, s3;
	s6 =	simm.s32 @!p1 $0x1082;
	[sflag:s4] =	ssyncset.s32 $0xFFFFF086  }
0x25: {  	[simem:s6], [sflag:s4] =	dma.local [hbm:s3], $0xF7A  }
0x26: {  	[smem:$0x3F9D] =	sst s1;
	(tag) =	ssettag s2;
	_ =	strace s9  }
0x27: {  	s1 =	sld [smem:$0x3FAD]  }
0x28: {  	s2 =	sld [smem:$0x3FAE]  }
0x29: {  	s4 =	sld [smem:$0x3FB0]  }
0x2a: {  	p0 =	seq.s32 s5, $0x0;
	s5 =	sld [smem:$0x3FB1]  }
0x2b: {  	s6 =	sld [smem:$0x3FB2]  }
0x2c: {  	s7 =	sld [smem:$0x3FB3]  }
0x2d: {  	s3 =	simm.s32 $0x108;
	s8 =	sld [smem:$0x3FB4]  }
0x2e: {  	s3 =	simm.s32 @!p0 $0x1082;
	s9 =	sld [smem:$0x3FB5]  }
0x2f: {  	lr =	sadd.s32 s0, s3;
	s0 =	sld [smem:$0x3FAC]  }
0x30: {  	s3 =	sld [smem:$0x3FAF]  }
0x31: {  	[smem:$0x3FB8] =	sst s10  }
0x32: {  	s10 =	sld [smem:$0x3FB6];
	_ =	sdelay $0x3  }
0x33: {  	p0 =	seq.s32 s10, $0x1;
	s10 =	sld [smem:$0x3FB8];
	_ =	sdelay $0x3  }
0x34: {  	[smem:$0x3FB8] =	sst s10  }
0x35: {  	s10 =	sld [smem:$0x3FB7];
	_ =	sdelay $0x3  }
0x36: {  	p1 =	seq.s32 s10, $0x1;
	s10 =	sld [smem:$0x3FB8];
	_ =	sdelay $0x3  }
0x37: {  	[smem:$0x3FB8] =	sst s10  }
0x38: {  	s10 =	sld [smem:$0x3FB9]  }
0x39: {  	_ = 	snop;
	(pc) =	sbr.ind lr, $3  }
0x3a: {  	_ = 	snop  }
0x3b: {  	_ = 	snop  }
0x3c: {  	p2 =	seq.s32 s10, $0x1;
	s10 =	sld [smem:$0x3FB8]  }
0x3d: {  	_ =	shalt  }
0x3e: {  	_ =	shalt  }
0x3f: {  	_ =	shalt  }
0x40: {  	_ =	shalt  }
0x41: {  	_ =	shalt  }
0x42: {  	_ =	shalt  }
0x43: {  	_ =	shalt  }
0x44: {  	_ =	shalt  }
0x45: {  	_ =	shalt  }
0x46: {  	_ =	shalt  }
0x47: {  	_ =	shalt  }
0x48: {  	_ =	shalt  }
0x49: {  	_ =	shalt  }
0x4a: {  	_ =	shalt  }
0x4b: {  	_ =	shalt  }
0x4c: {  	_ =	shalt  }
0x4d: {  	_ =	shalt  }
0x4e: {  	_ =	shalt  }
0x4f: {  	_ =	shalt  }
0x50: {  	_ =	shalt  }
0x51: {  	_ =	shalt  }
0x52: {  	_ =	shalt  }
0x53: {  	_ =	shalt  }
0x54: {  	_ =	shalt  }
0x55: {  	_ =	shalt  }
0x56: {  	_ =	shalt  }
0x57: {  	_ =	shalt  }
0x58: {  	_ =	shalt  }
0x59: {  	_ =	shalt  }
0x5a: {  	_ =	shalt  }
0x5b: {  	_ =	shalt  }
0x5c: {  	_ =	shalt  }
0x5d: {  	_ =	shalt  }
0x5e: {  	_ =	shalt  }
0x5f: {  	_ =	shalt  }
0x60: {  	_ =	shalt  }
0x61: {  	_ =	shalt  }
0x62: {  	_ =	shalt  }
0x63: {  	_ =	shalt  }
0x64: {  	_ =	shalt  }
0x65: {  	_ =	shalt  }
0x66: {  	_ =	shalt  }
0x67: {  	_ =	shalt  }
0x68: {  	_ =	shalt  }
0x69: {  	_ =	shalt  }
0x6a: {  	_ =	shalt  }
0x6b: {  	_ =	shalt  }
0x6c: {  	_ =	shalt  }
0x6d: {  	_ =	shalt  }
0x6e: {  	_ =	shalt  }
0x6f: {  	_ =	shalt  }
0x70: {  	_ =	shalt  }
0x71: {  	_ =	shalt  }
0x72: {  	_ =	shalt  }
0x73: {  	_ =	shalt  }
0x74: {  	_ =	shalt  }
0x75: {  	_ =	shalt  }
0x76: {  	_ =	shalt  }
0x77: {  	_ =	shalt  }
0x78: {  	_ =	shalt  }
0x79: {  	_ =	shalt  }
0x7a: {  	_ =	shalt  }
0x7b: {  	_ =	shalt  }
0x7c: {  	_ =	shalt  }
0x7d: {  	_ =	shalt  }
0x7e: {  	_ =	shalt  }
0x7f: {  	_ =	shalt  }
0x80: {  	_ =	shalt  }
0x81: {  	_ =	shalt  }
0x82: {  	_ =	shalt  }
0x83: {  	_ =	shalt  }
0x84: {  	_ =	shalt  }
0x85: {  	_ =	shalt  }
0x86: {  	_ =	shalt  }
0x87: {  	_ =	shalt  }
.Lfunc_end0:
.L_simem_size_0:
called_computation_lowered:
.L_overlay_start_0:
0x88: {  	s2 =	sld [smem:$0x3FD9]  }
0x89: {  	s3 =	sld [smem:$0x3FFE];
	_ =	sdelay $0x1  }
0x8a: {  	s1 =	srdreg.scid  }
0x8b: {  	s0 =	sand.u32 $0x1, s1  }
0x8c: {  	s14 =	sshll.u32 s0, $0xA;
	s2 =	sadd.s32 s3, s2  }
0x8d: {  	s2 =	sadd.s32 s2, s14  }
0x8e: {  	[smem:$0x3FC4] =	sst s2  }
0x8f: {  	_ = 	snop  }
0x90: {  	s2 =	sld [smem:$0x3FD0];
	_ =	sdelay $0x2  }
0x91: {  	s15 =	simm.s32 $0xA;
	s4 =	simm.s32 $0x10  }
0x92: {  	[smem:s4], [sflag:s15] =	dma.local [hbm:s2], $0x1  }
0x93: {  	_ =	swait.eq [sflag:s15], $0x1  }
0x94: {  	[sflag:s15] =	ssyncset.done $0x0  }
0x95: {  	[sflag:s15] =	ssyncadd.s32 $0xFFFFFFFF  }
0x96: {  	s16 =	sld [smem:$0x10];
	(tm) =	ssettm $0x1  }
0x97: {  	s17 =	sld [smem:$0x3FFB];
	_ =	sdelay $0x3  }
0x98: {  	_ =	strace s17  }
0x99: {  	s3 =	sld [smem:$0x3FFC];
	_ =	sdelay $0x3  }
0x9a: {  	_ =	strace s3  }
0x9b: {  	s3 =	sld [smem:$0x3FFD];
	_ =	sdelay $0x3  }
0x9c: {  	_ =	strace s3  }
0x9d: {  	_ =	strace $0x8FFFFFFF  }
0x9e: {  	s18 =	sld [smem:$0x3FDB];
	_ =	sdelay $0x1  }
0x9f: {  	s19 =	simm.s32 $_scs_section_size  }
0xa0: {  	s5 =	simm.s32 $_size__tile_overlayer_lowered;
	s6 =	simm.s32 $_tile_overlayer_lowered  }
0xa1: {  	s22 =	simm.s32 $0x1BFF;
	s21 =	sshll.u32 s6, $0x1;
	s3 =	sadd.s32 s19, s18  }
0xa2: {  	s7 =	simm.s32 $0x0;
	s20 =	sshll.u32 s5, $0x1;
	s5 =	sadd.s32 s21, s3  }
0xa3: {  	[timem:s7], [sflag:s22] =	dma.local [hbm:s5], s20  }
0xa4: {  	_ =	swait.ge [sflag:s22], s20  }
0xa5: {  	s4 =	ssub.s32 $0x0, s20;
	[sflag:s22] =	ssyncset.done $0x0  }
0xa6: {  	[sflag:s22] =	ssyncadd.s32 s4;
	_ =	sdelay $0x1  }
0xa7: {  	s23 =	simm.s32 $0x1B8B  }
0xa8: {  	_ =	swait.ge [sflag:s23], $0x1  }
0xa9: {  	[sflag:s23] =	ssyncset.done $0x0  }
0xaa: {  	s25 =	simm.s32 $0x1B8E;
	s24 =	sld [smem:$0x3FFE];
	[sflag:s23] =	ssyncadd.s32 $0xFFFFFFFF  }
0xab: {  	s26 =	simm.s32 $execute0_lowered;
	[smem:$0x3FD2] =	sst s25  }
0xac: {  	s5 =	sshll.u32 s26, $0x1;
	_ =	strace $0x80000046;
	[dreg:$0x1] =	wrdreg $0xFFFFFFFF  }
0xad: {  	s28 =	simm.s32 $_size_execute0_lowered;
	s3 =	sadd.s32 s3, s5;
	[dreg:$0x0] =	wrdreg $0x0  }
0xae: {  	s5 =	sshll.u32 s28, $0x1;
	[dreg:$0x2] =	wrdreg s3  }
0xaf: {  	[dreg:$0x3] =	wrdreg s5  }
0xb0: {  	[dreg:$0x4] =	wrdreg $0xC0  }
0xb1: {  	_ =	task [dreg:s7], $0x5FFFF  }
0xb2: {  	[dreg:$0x1] =	wrdreg $0xFFFFFFFF  }
0xb3: {  	[dreg:$0x0] =	wrdreg $0x60  }
0xb4: {  	[dreg:$0x2] =	wrdreg s16  }
0xb5: {  	[dreg:$0x3] =	wrdreg s24  }
0xb6: {  	[dreg:$0x4] =	wrdreg $0x9  }
0xb7: {  	_ =	task.clear_ibuf [dreg:s7], $0x5FFFF;
	_ =	strace $0x90000046  }
0xb8: {  	s29 =	simm.s32 $0x9;
	_ =	strace $0x80000048  }
0xb9: {  	_ =	swait.ge [sflag:s29], $0x1  }
0xba: {  	[sflag:s29] =	ssyncadd.s32 $0xFFFFFFFF  }
0xbb: {  	_ =	strace $0x90000048  }
0xbc: {  	_ =	sfence  }
0xbd: {  	s30 =	sld [smem:$0x0];
	_ =	sdelay $0x2  }
0xbe: {  	s31 =	sshll.u32 s1, $0xD;
	s1 =	sshrl.u32 s1, $0x2  }
0xbf: {  	s3 =	sand.u32 $0x4000, s31;
	s1 =	sadd.s32 s1, s30  }
0xc0: {  	s0 =	sor.u32 s3, s0;
	s1 =	sshll.u32 s1, $0x11  }
0xc1: {  	s0 =	sor.u32 s1, s0  }
0xc2: {  	s0 =	sadd.s32 $0x8F2B, s0  }
0xc3: {  	[sflag:s0] =	ssyncadd.remote.s32 $0x1  }
0xc4: {  	_ =	sfence.sel $0xFFFF  }
0xc5: {  	[dreg:$0x0] =	wrdreg $0xFFFFFFFF;
	(pc) =	sbr.abs _section_cstart, $3  }
0xc6: {  	[dreg:$0x1] =	wrdreg $0xFFFFFFFF  }
0xc7: {  	_ =	task.clear_ibuf [dreg:s7], $0x2FFFF;
	_ =	strace $0x9FFFFFFF  }
0xc8: {  	(tm) =	ssettm $0x7FFFFFFF  }
0xc9: {  	_ =	shalt  }
tec
execute0_lowered:
.L_overlay_start_1:
0x0: {  	(tag) =	ssettag $0x1  }
0x1: {  	s0 =	srdreg.scid;
	s6 =	rddreg [dreg:$0x0]  }
0x2: {  	s1 =	stileid.u32;
	s2 =	rddreg [dreg:$0x1];
	s4 =	simm.s32 $0x0  }
0x3: {  	s11 =	simm.s32 $0x3;
	s13 =	simm.s32 $0x80;
	s14 =	simm.s32 $0x100  }
0x4: {  	s29 =	simm.s32 $0x7000;
	s30 =	simm.s32 $0x7800;
	s31 =	simm.s32 $0x1  }
0x5: {  	s17 =	simm.s32 $0x2;
	s0 =	sand.u32 $0x1, s0;
	s1 =	sshll.u32 s1, $0x1  }
0x6: {  	s7 =	simm.s32 $0x48000;
	s1 =	sor.u32 s0, s1;
	s0 =	ssub.s32 $0x2, s0  }
0x7: {  	s18 =	simm.s32 $0x104A0;
	s3 =	smul.u32 $0x48, s1;
	s5 =	sshrl.u32 s0, $0x1  }
.Ltmp0:
0x8: {  	[smem:$0x7FF] =	sst s4;
	s0 =	ssub.s32 s0, s5;
	(pc) =	sbr.rel .LBB2_1-.Ltmp0, $4  }
0x9: {  	s4 =	sadd.s32 $0x1E00, s2;
	s3 =	sadd.s32 s3, s2;
	s0 =	smax.u32 s0, $0x1  }
0xa: {  	_ =	strace $0x80000047;
	s26 =	sadd.s32 $0xA00, s3;
	[dreg:$0x5] =	wrdreg s0  }
0xb: {  	s8 =	sadd.s32 $0x10, s6;
	s28 =	sadd.s32 $0x1400, s3;
	[dreg:$0x3] =	wrdreg s26  }
0xc: {  	s5 =	smul.u32 $0x24, s1;
	s1 =	simm.s32 $0x0;
	[dreg:$0x4] =	wrdreg s28  }
.LBB2_31:
0xd: {  	_ =	swait.ge [sflag:s31], $0x8000  }
0xe: {  	s1 =	rddreg [dreg:$0x6]  }
0xf: {  	s0 =	rddreg [dreg:$0x5];
	s1 =	sadd.s32 $0x1, s1  }
0x10: {  	p0 =	sne.s32 s1, s0  }
.Ltmp1:
0x11: {  	_ = 	snop;
	(pc) =	sbr.rel @!p0 .LBB2_32-.Ltmp1, $3  }
0x12: {  	_ =	sdelay $0x1  }
0x13: {  	[sflag:s31] =	ssyncset.done $0x0  }
0x14: {  	[sflag:s31] =	ssyncadd.s32 $0xFFFF8000  }
.LBB2_1:
0x15: {  	[dreg:$0x6] =	wrdreg s1  }
0x16: {  	s2 =	simm.s32 $0x0;
	s0 =	rddreg [dreg:$0x3];
	s6 =	simm.s32 $0x10000  }
0x17: {  	[tilespmem:s6], [sflag:$0x3] =	stream.linear.gather [hbm4b:s0+s2], $0x240, $0x38;
	[tilespmem:$0x135A0] =	vst v63  }
0x18: {  	_ =	swait.ge [sflag:s11], $0x240  }
0x19: {  	[sflag:s11] =	ssyncset.done $0x0  }
0x1a: {  	s10 =	simm.s32 $0x10250;
	s9 =	rddreg [dreg:$0x4];
	[sflag:s11] =	ssyncadd.s32 $0xFFFFFDC0  }
0x1b: {  	[tilespmem:s10], [sflag:$0x3] =	stream.linear.gather [hbm4b:s9+s2], $0x240, $0x38;
	[tilespmem:$0x135A0] =	vst v63  }
0x1c: {  	_ =	swait.ge [sflag:s11], $0x240  }
0x1d: {  	[sflag:s11] =	ssyncset.done $0x0  }
0x1e: {  	[sflag:s11] =	ssyncadd.s32 $0xFFFFFDC0  }
0x1f: {  	v0 =	vld [tilespmem:$0x1000E]  }
0x20: {  	v1 =	vld [tilespmem:$0x1025E];
	_ =	sdelay $0x3  }
0x21: {  	(v2sf) =	vpush v0, $0x0  }
0x22: {  	(v2sf) =	vpush v1, $0x0;
	_ =	sdelay $0xd  }
0x23: {  	s12 =	spop (v2sf)  }
0x24: {  	s0 =	smul.u32 $0x3200, s12;
	s15 =	spop (v2sf)  }
0x25: {  	s1 =	sshll.u32 s15, $0x8  }
0x26: {  	s0 =	sadd.s32 s0, s1  }
0x27: {  	s16 =	rddreg [dreg:$0x0];
	s0 =	sshrl.u32 s0, $0x3  }
0x28: {  	s0 =	sadd.s32 s16, s0  }
0x29: {  	[tilespmem:s2], [sflag:$0x1] =	stream.strided.gather [hbm4b:s0+s13], $0x800, s14, s13, $0x38;
	[tilespmem:$0x135A0] =	vst v63  }
0x2a: {  	s19 =	simm.s32 $0x800;
	s1 =	sadd.s32 $0x640, s0  }
0x2b: {  	[tilespmem:s19], [sflag:$0x1] =	stream.strided.gather [hbm4b:s1+s13], $0x800, s14, s13, $0x38;
	[tilespmem:$0x135A0] =	vst v63  }
0x2c: {  	s21 =	simm.s32 $0x1000;
	s20 =	sadd.s32 $0xC80, s0  }
0x2d: {  	[tilespmem:s21], [sflag:$0x1] =	stream.strided.gather [hbm4b:s20+s13], $0x800, s14, s13, $0x38;
	[tilespmem:$0x135A0] =	vst v63  }
0x2e: {  	s23 =	simm.s32 $0x1800;
	s22 =	sadd.s32 $0x12C0, s0  }
0x2f: {  	[tilespmem:s23], [sflag:$0x1] =	stream.strided.gather [hbm4b:s22+s13], $0x800, s14, s13, $0x38;
	[tilespmem:$0x135A0] =	vst v63  }
0x30: {  	s25 =	simm.s32 $0x2000;
	s24 =	sadd.s32 $0x1900, s0  }
0x31: {  	[tilespmem:s25], [sflag:$0x1] =	stream.strided.gather [hbm4b:s24+s13], $0x800, s14, s13, $0x38;
	[tilespmem:$0x135A0] =	vst v63  }
0x32: {  	s28 =	simm.s32 $0x2800;
	s26 =	sadd.s32 $0x1F40, s0  }
0x33: {  	[tilespmem:s28], [sflag:$0x1] =	stream.strided.gather [hbm4b:s26+s13], $0x800, s14, s13, $0x38;
	[tilespmem:$0x135A0] =	vst v63  }
0x34: {  	s3 =	simm.s32 $0x3000;
	s2 =	sadd.s32 $0x2580, s0  }
0x35: {  	[tilespmem:s3], [sflag:$0x1] =	stream.strided.gather [hbm4b:s2+s13], $0x800, s14, s13, $0x38;
	[tilespmem:$0x135A0] =	vst v63  }
0x36: {  	s9 =	simm.s32 $0x3800;
	s6 =	sadd.s32 $0x2BC0, s0  }
0x37: {  	[tilespmem:s9], [sflag:$0x1] =	stream.strided.gather [hbm4b:s6+s13], $0x800, s14, s13, $0x38;
	[tilespmem:$0x135A0] =	vst v63  }
0x38: {  	s12 =	simm.s32 $0x4000;
	s10 =	sadd.s32 $0x3200, s0  }
0x39: {  	[tilespmem:s12], [sflag:$0x1] =	stream.strided.gather [hbm4b:s10+s13], $0x800, s14, s13, $0x38;
	[tilespmem:$0x135A0] =	vst v63  }
0x3a: {  	s16 =	simm.s32 $0x4800;
	s15 =	sadd.s32 $0x3840, s0  }
0x3b: {  	[tilespmem:s16], [sflag:$0x1] =	stream.strided.gather [hbm4b:s15+s13], $0x800, s14, s13, $0x38;
	[tilespmem:$0x135A0] =	vst v63  }
0x3c: {  	s19 =	sadd.s32 $0x3E80, s0;
	s20 =	simm.s32 $0x5000  }
0x3d: {  	[tilespmem:s20], [sflag:$0x1] =	stream.strided.gather [hbm4b:s19+s13], $0x800, s14, s13, $0x38;
	[tilespmem:$0x135A0] =	vst v63  }
0x3e: {  	s21 =	sadd.s32 $0x44C0, s0;
	s22 =	simm.s32 $0x5800  }
0x3f: {  	[tilespmem:s22], [sflag:$0x1] =	stream.strided.gather [hbm4b:s21+s13], $0x800, s14, s13, $0x38;
	[tilespmem:$0x135A0] =	vst v63  }
0x40: {  	s23 =	sadd.s32 $0x4B00, s0;
	s24 =	simm.s32 $0x6000  }
0x41: {  	[tilespmem:s24], [sflag:$0x1] =	stream.strided.gather [hbm4b:s23+s13], $0x800, s14, s13, $0x38;
	[tilespmem:$0x135A0] =	vst v63  }
0x42: {  	s25 =	sadd.s32 $0x5140, s0;
	s26 =	simm.s32 $0x6800  }
0x43: {  	[tilespmem:s26], [sflag:$0x1] =	stream.strided.gather [hbm4b:s25+s13], $0x800, s14, s13, $0x38;
	[tilespmem:$0x135A0] =	vst v63  }
.Ltmp2:
0x44: {  	_ = 	snop;
	(pc) =	sbr.rel .LBB2_2-.Ltmp2, $4  }
0x45: {  	s28 =	sadd.s32 $0x5780, s0  }
0x46: {  	[tilespmem:s29], [sflag:$0x1] =	stream.strided.gather [hbm4b:s28+s13], $0x800, s14, s13, $0x38;
	[tilespmem:$0x135A0] =	vst v63  }
0x47: {  	s0 =	sadd.s32 $0x5DC0, s0;
	s9 =	simm.s32 $0x0  }
0x48: {  	[tilespmem:s30], [sflag:$0x1] =	stream.strided.gather [hbm4b:s0+s13], $0x800, s14, s13, $0x38;
	[tilespmem:$0x135A0] =	vst v63  }
.LBB2_30:
0x49: {  	_ = 	snop  }
0x4a: {  	s0 =	sadd.s32 s5, s9  }
0x4b: {  	p0 =	sne.s32 s19, $0x24;
	s0 =	sshll.u32 s0, $0x5  }
.Ltmp3:
0x4c: {  	s0 =	sadd.s32 s4, s0;
	(pc) =	sbr.rel @!p0 .LBB2_31-.Ltmp3, $4  }
0x4d: {  	[hbm4b:s0+s14] =	stream.strided.scatter [tilespmem:s18], [sflag:$0x3], $0x3100, s7, s14, $0x38;
	[tilespmem:$0x135A0] =	vst v63  }
0x4e: {  	_ =	swait.ge [sflag:s11], $0x3100  }
0x4f: {  	[sflag:s11] =	ssyncset.done $0x0  }
0x50: {  	s9 =	smov.u32 s19;
	[sflag:s11] =	ssyncadd.s32 $0xFFFFCF00  }
.LBB2_2:
0x51: {  	s0 =	sshll.u32 s9, $0x4  }
0x52: {  	v0 =	vld [tilespmem:s0+$0x1000E]  }
0x53: {  	v1 =	vld [tilespmem:s0+$0x1025E];
	_ =	sdelay $0x3  }
0x54: {  	(v2sf) =	vpush v0, $0x0  }
0x55: {  	(v2sf) =	vpush v1, $0x0;
	_ =	sdelay $0xc  }
0x56: {  	s19 =	sadd.s32 $0x1, s9  }
0x57: {  	s1 =	smin.u32 s19, $0x23;
	s3 =	spop (v2sf)  }
0x58: {  	s1 =	sshll.u32 s1, $0x4;
	s20 =	spop (v2sf);
	s2 =	smul.u32 $0x3200, s3  }
0x59: {  	v2 =	vld [tilespmem:s1+$0x1000E];
	s15 =	sshll.u32 s20, $0x8  }
0x5a: {  	v3 =	vld [tilespmem:s1+$0x1025E];
	_ =	swait.ge [sflag:s31], $0x8000;
	s1 =	sadd.s32 s2, s15  }
0x5b: {  	[sflag:s31] =	ssyncset.done $0x0;
	s1 =	sshrl.u32 s1, $0x3  }
0x5c: {  	s16 =	simm.s32 $0x8000;
	[sflag:s31] =	ssyncadd.s32 $0xFFFF8000;
	s1 =	sadd.s32 s1, s8  }
0x5d: {  	[tilespmem:s16], [sflag:$0x2] =	stream.strided.gather [hbm4b:s1+s13], $0x800, s14, s13, $0x38;
	[tilespmem:$0x135A0] =	vst v63  }
0x5e: {  	s6 =	simm.s32 $0x8800;
	s21 =	sadd.s32 $0x640, s1  }
0x5f: {  	[tilespmem:s6], [sflag:$0x2] =	stream.strided.gather [hbm4b:s21+s13], $0x800, s14, s13, $0x38;
	[tilespmem:$0x135A0] =	vst v63  }
0x60: {  	s23 =	simm.s32 $0x9000;
	s22 =	sadd.s32 $0xC80, s1  }
0x61: {  	[tilespmem:s23], [sflag:$0x2] =	stream.strided.gather [hbm4b:s22+s13], $0x800, s14, s13, $0x38;
	[tilespmem:$0x135A0] =	vst v63  }
0x62: {  	s25 =	simm.s32 $0x9800;
	s24 =	sadd.s32 $0x12C0, s1  }
0x63: {  	[tilespmem:s25], [sflag:$0x2] =	stream.strided.gather [hbm4b:s24+s13], $0x800, s14, s13, $0x38;
	[tilespmem:$0x135A0] =	vst v63  }
0x64: {  	s28 =	simm.s32 $0xA000;
	s26 =	sadd.s32 $0x1900, s1  }
0x65: {  	[tilespmem:s28], [sflag:$0x2] =	stream.strided.gather [hbm4b:s26+s13], $0x800, s14, s13, $0x38;
	[tilespmem:$0x135A0] =	vst v63  }
0x66: {  	s10 =	simm.s32 $0xA800;
	s6 =	sadd.s32 $0x1F40, s1  }
0x67: {  	[tilespmem:s10], [sflag:$0x2] =	stream.strided.gather [hbm4b:s6+s13], $0x800, s14, s13, $0x38;
	[tilespmem:$0x135A0] =	vst v63  }
0x68: {  	s15 =	simm.s32 $0xB000;
	s12 =	sadd.s32 $0x2580, s1  }
0x69: {  	[tilespmem:s15], [sflag:$0x2] =	stream.strided.gather [hbm4b:s12+s13], $0x800, s14, s13, $0x38;
	[tilespmem:$0x135A0] =	vst v63  }
0x6a: {  	s16 =	sadd.s32 $0x2BC0, s1;
	s21 =	simm.s32 $0xB800  }
0x6b: {  	[tilespmem:s21], [sflag:$0x2] =	stream.strided.gather [hbm4b:s16+s13], $0x800, s14, s13, $0x38;
	[tilespmem:$0x135A0] =	vst v63  }
0x6c: {  	s22 =	sadd.s32 $0x3200, s1;
	s23 =	simm.s32 $0xC000  }
0x6d: {  	[tilespmem:s23], [sflag:$0x2] =	stream.strided.gather [hbm4b:s22+s13], $0x800, s14, s13, $0x38;
	[tilespmem:$0x135A0] =	vst v63  }
0x6e: {  	s24 =	sadd.s32 $0x3840, s1;
	s25 =	simm.s32 $0xC800  }
0x6f: {  	[tilespmem:s25], [sflag:$0x2] =	stream.strided.gather [hbm4b:s24+s13], $0x800, s14, s13, $0x38;
	[tilespmem:$0x135A0] =	vst v63  }
0x70: {  	s26 =	sadd.s32 $0x3E80, s1;
	s28 =	simm.s32 $0xD000  }
0x71: {  	[tilespmem:s28], [sflag:$0x2] =	stream.strided.gather [hbm4b:s26+s13], $0x800, s14, s13, $0x38;
	[tilespmem:$0x135A0] =	vst v63  }
0x72: {  	s6 =	sadd.s32 $0x44C0, s1;
	s10 =	simm.s32 $0xD800  }
0x73: {  	[tilespmem:s10], [sflag:$0x2] =	stream.strided.gather [hbm4b:s6+s13], $0x800, s14, s13, $0x38;
	[tilespmem:$0x135A0] =	vst v63  }
0x74: {  	s12 =	sadd.s32 $0x4B00, s1;
	s15 =	simm.s32 $0xE000  }
0x75: {  	[tilespmem:s15], [sflag:$0x2] =	stream.strided.gather [hbm4b:s12+s13], $0x800, s14, s13, $0x38;
	[tilespmem:$0x135A0] =	vst v63  }
0x76: {  	s16 =	sadd.s32 $0x5140, s1;
	s21 =	simm.s32 $0xE800  }
0x77: {  	[tilespmem:s21], [sflag:$0x2] =	stream.strided.gather [hbm4b:s16+s13], $0x800, s14, s13, $0x38;
	[tilespmem:$0x135A0] =	vst v63  }
0x78: {  	s22 =	sadd.s32 $0x5780, s1;
	s23 =	simm.s32 $0xF000  }
0x79: {  	[tilespmem:s23], [sflag:$0x2] =	stream.strided.gather [hbm4b:s22+s13], $0x800, s14, s13, $0x38;
	[tilespmem:$0x135A0] =	vst v63  }
0x7a: {  	s1 =	sadd.s32 $0x5DC0, s1;
	s24 =	simm.s32 $0xF800  }
0x7b: {  	[tilespmem:s24], [sflag:$0x2] =	stream.strided.gather [hbm4b:s1+s13], $0x800, s14, s13, $0x38;
	[tilespmem:$0x135A0] =	vst v63  }
.Ltmp4:
0x7c: {  	s25 =	sshll.u32 s20, $0x9;
	s26 =	sshll.u32 s3, $0xD;
	(pc) =	sbr.rel .LBB2_3-.Ltmp4, $4  }
0x7d: {  	s1 =	sadd.s32 s26, s25  }
0x7e: {  	s1 =	ssub.s32 $0x0, s1  }
0x7f: {  	s28 =	sadd.s32 $0x10000, s0;
	s0 =	sadd.s32 $0x10250, s0;
	s2 =	sshra.s32 s1, $0x2  }
0x80: {  	v0 =	vmov s28;
	v1 =	vmov s0;
	s1 =	simm.s32 $0x0;
	s21 =	sor.u32 $0x40, s2  }
.LBB2_15:
0x81: {  	s1 =	sadd.s32 $0x1, s1  }
0x82: {  	p0 =	sne.s32 s1, $0x7  }
.Ltmp5:
0x83: {  	_ = 	snop;
	(pc) =	sbr.rel @!p0 .LBB2_16-.Ltmp5, $1  }
0x84: {  	_ =	sdelay $0x3  }
.LBB2_3:
0x85: {  	_ =	sdelay $0x3  }
0x86: {  	v4 =	vld.idx.msk [tilespmem:v0+s1+$0x0 ss:$0x1], $0xffff  }
0x87: {  	v5 =	vld.idx.msk [tilespmem:v0+s1+$0x7 ss:$0x1], $0xffff;
	_ =	sdelay $0x3  }
0x88: {  	(v2sf) =	vpush v4, $0x0  }
0x89: {  	(v2sf) =	vpush v5, $0x0;
	_ =	sdelay $0xc  }
.Ltmp6:
0x8a: {  	_ = 	snop;
	(pc) =	sbr.rel .LBB2_4-.Ltmp6, $4  }
0x8b: {  	s23 =	smul.u32 $0x7, s1;
	s0 =	spop (v2sf)  }
0x8c: {  	s24 =	simm.s32 $0x0;
	s6 =	sshll.u32 s0, $0xD;
	s28 =	spop (v2sf)  }
0x8d: {  	s16 =	ssub.s32 s0, s3;
	s6 =	sshra.s32 s6, $0x2;
	s0 =	ssub.s32 s28, s3  }
0x8e: {  	s10 =	sadd.s32 s6, s21;
	p0 =	sge.s32 s16, s0;
	p1 =	sle.s32 s0, s16  }
.LBB2_14:
0x8f: {  	p2 =	sle.s32 s25, s15;
	s6 =	sadd.s32 s23, s24  }
0x90: {  	p2 =	por p1, p2;
	s6 =	sshll.u32 s6, $0x8  }
0x91: {  	v11 =	vpsel p2, $0x0, v11;
	s6 =	sand.u32 $0x3FFFFF00, s6  }
0x92: {  	v10 =	vpsel p2, $0x0, v10;
	[tilespmem:s6+$0x104A0] =	vst v11  }
0x93: {  	s24 =	sadd.s32 $0x1, s24;
	v9 =	vpsel p2, $0x0, v9;
	v6 =	vpsel p2, $0x0, v6;
	v62 =	vpsel p2, $0x0, v8;
	[tilespmem:s6+$0x104B0] =	vst v10  }
0x94: {  	v63 =	vpsel p2, $0x0, v7;
	v5 =	vpsel p2, $0x0, v5;
	v4 =	vpsel p2, $0x0, v4;
	p2 =	sne.s32 s24, $0x7;
	[tilespmem:s6+$0x104C0] =	vst v9  }
.Ltmp7:
0x95: {  	[tilespmem:s6+$0x104D0] =	vst v6;
	(pc) =	sbr.rel @!p2 .LBB2_15-.Ltmp7, $4  }
0x96: {  	[tilespmem:s6+$0x104E0] =	vst v62  }
0x97: {  	[tilespmem:s6+$0x104F0] =	vst v63  }
0x98: {  	[tilespmem:s6+$0x10500] =	vst v5  }
0x99: {  	[tilespmem:s6+$0x10510] =	vst v4  }
.LBB2_4:
0x9a: {  	_ =	sdelay $0x3  }
0x9b: {  	v4 =	vld.idx.msk [tilespmem:v1+s24+$0x0 ss:$0x1], $0xffff  }
0x9c: {  	v5 =	vld.idx.msk [tilespmem:v1+s24+$0x7 ss:$0x1], $0xffff;
	_ =	sdelay $0x3  }
0x9d: {  	(v2sf) =	vpush v4, $0x0  }
0x9e: {  	(v2sf) =	vpush v5, $0x0;
	_ =	sdelay $0xb  }
.Ltmp8:
0x9f: {  	_ = 	snop;
	(pc) =	sbr.rel @p0 .LBB2_14-.Ltmp8, $4  }
0xa0: {  	_ = 	snop  }
0xa1: {  	v11 =	vimm.f32 $-1.000000020e+30;
	v10 =	vimm.f32 $-1.000000020e+30;
	s6 =	spop (v2sf)  }
0xa2: {  	v9 =	vimm.f32 $-1.000000020e+30;
	v6 =	vimm.f32 $-1.000000020e+30;
	v8 =	vimm.f32 $-1.000000020e+30;
	s12 =	spop (v2sf)  }
0xa3: {  	v7 =	vimm.f32 $-1.000000020e+30;
	v4 =	vimm.f32 $-1.000000020e+30;
	v5 =	vimm.f32 $-1.000000020e+30;
	s15 =	ssub.s32 s6, s20;
	s25 =	ssub.s32 s12, s20  }
.Ltmp9:
0xa4: {  	(pc) =	sbr.rel .LBB2_6-.Ltmp9, $4  }
0xa5: {  	_ = 	snop  }
0xa6: {  	s22 =	sshll.u32 s6, $0x9;
	v4 =	vimm.f32 $-1.000000020e+30;
	v5 =	vimm.f32 $-1.000000020e+30  }
0xa7: {  	v7 =	vimm.f32 $-1.000000020e+30;
	v8 =	vimm.f32 $-1.000000020e+30;
	v6 =	vimm.f32 $-1.000000020e+30;
	s12 =	ssub.s32 s12, s6;
	s22 =	sshra.s32 s22, $0x2  }
0xa8: {  	p2 =	sge.s32 s15, s25;
	v9 =	vimm.f32 $-1.000000020e+30;
	v10 =	vimm.f32 $-1.000000020e+30;
	v11 =	vimm.f32 $-1.000000020e+30;
	s28 =	sadd.s32 s22, s10;
	s22 =	smov.u32 s16  }
.LBB2_8:
0xa9: {  	s26 =	smov.u32 s28;
	v16 =	vmovc v8;
	v18 =	vmov v7;
	v19 =	vmov v5;
	v20 =	vmov v11  }
.LBB2_12:
0xaa: {  	v21 =	vld [tilespmem:s26+$0xFFFFFFD0]  }
0xab: {  	v22 =	vld [tilespmem:s26+$0xFFFFFFE0]  }
0xac: {  	v23 =	vld [tilespmem:s26+$0xFFFFFFF0]  }
0xad: {  	v24 =	vld [tilespmem:s26+$0x0]  }
0xae: {  	v25 =	vld [tilespmem:s26+$0x10]  }
0xaf: {  	v26 =	vld [tilespmem:s26+$0x20]  }
0xb0: {  	v13 =	vmax.f32 @p3 v16, v13;
	v63 =	vld [tilespmem:s26+$0xFFFFFFC0]  }
0xb1: {  	v14 =	vmax.f32 @p3 v18, v14;
	v15 =	vmax.f32 @p3 v19, v15;
	v17 =	vmax.f32 @p3 v20, v17  }
0xb2: {  	v4 =	vmax.f32 v4, v12;
	v8 =	vpsel p3, v13, v8;
	v7 =	vpsel p3, v14, v7  }
0xb3: {  	v5 =	vpsel p3, v15, v5;
	v11 =	vpsel p3, v17, v11;
	v10 =	vmax.f32 v10, v21  }
0xb4: {  	v9 =	vmax.f32 v9, v22;
	v6 =	vmax.f32 v6, v23;
	v8 =	vmax.f32 v8, v24  }
0xb5: {  	v7 =	vmax.f32 v7, v25;
	v5 =	vmax.f32 v5, v26;
	v11 =	vmax.f32 v11, v63  }
.LBB2_13:
0xb6: {  	s22 =	sadd.s32 $0x1, s22  }
0xb7: {  	p3 =	sne.s32 s22, s0  }
.Ltmp10:
0xb8: {  	_ = 	snop;
	(pc) =	sbr.rel @!p3 .LBB2_14-.Ltmp10, $2  }
0xb9: {  	_ =	sdelay $0x2  }
0xba: {  	s28 =	sadd.s32 $0x800, s28  }
.LBB2_6:
.Ltmp11:
0xbb: {  	(pc) =	sbr.rel @p2 .LBB2_13-.Ltmp11, $1  }
0xbc: {  	_ =	sdelay $0x3  }
0xbd: {  	p4 =	sne.s32 s12, $0x1  }
.Ltmp12:
0xbe: {  	_ = 	snop;
	(pc) =	sbr.rel @!p4 .LBB2_8-.Ltmp12, $2  }
0xbf: {  	_ =	sdelay $0x2  }
0xc0: {  	v12 =	vld [tilespmem:s28+$0x30];
	s6 =	sadd.s32 $0xFFFFFFFF, s12;
	p3 =	por $0x0, $0x0  }
0xc1: {  	v16 =	vld [tilespmem:s28+$0xFFFFFFD0]  }
0xc2: {  	v18 =	vld [tilespmem:s28+$0xFFFFFFE0]  }
0xc3: {  	v19 =	vld [tilespmem:s28+$0xFFFFFFF0];
	p4 =	sne.s32 s6, $0x1  }
.Ltmp13:
0xc4: {  	v13 =	vld [tilespmem:s28+$0x0];
	(pc) =	sbr.rel @!p4 .LBB2_10-.Ltmp13, $4  }
0xc5: {  	v14 =	vld [tilespmem:s28+$0x10]  }
0xc6: {  	v15 =	vld [tilespmem:s28+$0x20]  }
0xc7: {  	v17 =	vld [tilespmem:s28+$0xFFFFFFC0];
	s26 =	sadd.s32 $0x80, s28;
	v20 =	vmov v11;
	v4 =	vmax.f32 v4, v12;
	v10 =	vmax.f32 v10, v16  }
0xc8: {  	s6 =	sadd.s32 $0xFFFFFFFF, s6;
	p3 =	por $0x1, $0x1;
	v12 =	vld [tilespmem:s26+$0x30];
	v9 =	vmax.f32 v9, v18;
	v6 =	vmax.f32 v6, v19;
	v16 =	vmovc v8;
	v18 =	vmovc v7;
	v19 =	vmov v5  }
.LBB2_11:
0xc9: {  	p4 =	sne.s32 s6, $0x1;
	v21 =	vld [tilespmem:s26+$0xFFFFFFD0];
	v16 =	vmax.f32 v16, v13  }
0xca: {  	v18 =	vmax.f32 v18, v14;
	v22 =	vld [tilespmem:s26+$0xFFFFFFE0]  }
0xcb: {  	v19 =	vmax.f32 v19, v15;
	v23 =	vld [tilespmem:s26+$0xFFFFFFF0]  }
.Ltmp14:
0xcc: {  	v20 =	vmax.f32 v20, v17;
	v13 =	vld [tilespmem:s26+$0x0];
	(pc) =	sbr.rel @p4 .LBB2_11-.Ltmp14, $4  }
0xcd: {  	v4 =	vmax.f32 v4, v12;
	v14 =	vld [tilespmem:s26+$0x10]  }
0xce: {  	v10 =	vmax.f32 v10, v21;
	v15 =	vld [tilespmem:s26+$0x20]  }
0xcf: {  	v17 =	vld [tilespmem:s26+$0xFFFFFFC0];
	v9 =	vmax.f32 v9, v22;
	s26 =	sadd.s32 $0x80, s26  }
0xd0: {  	s6 =	sadd.s32 $0xFFFFFFFF, s6;
	v12 =	vld [tilespmem:s26+$0x30];
	v6 =	vmax.f32 v6, v23  }
.Ltmp15:
0xd1: {  	_ = 	snop;
	(pc) =	sbr.rel .LBB2_12-.Ltmp15, $1  }
0xd2: {  	_ =	sdelay $0x3  }
.LBB2_10:
.Ltmp16:
0xd3: {  	(pc) =	sbr.rel .LBB2_12-.Ltmp16, $2  }
0xd4: {  	_ =	sdelay $0x2  }
0xd5: {  	v16 =	vmovc v8;
	v18 =	vmov v7;
	v19 =	vmov v5;
	v20 =	vmov v11  }
.LBB2_16:
0xd6: {  	(v2sf) =	vpush v2, $0x0  }
0xd7: {  	(v2sf) =	vpush v3, $0x0;
	_ =	sdelay $0xd  }
0xd8: {  	s0 =	spop (v2sf)  }
0xd9: {  	s1 =	spop (v2sf)  }
0xda: {  	s0 =	smul.u32 $0x3200, s0;
	_ =	swait.ge [sflag:s17], $0x8000  }
0xdb: {  	s1 =	sshll.u32 s1, $0x8;
	[sflag:s17] =	ssyncset.done $0x0  }
0xdc: {  	s0 =	sadd.s32 s0, s1;
	[sflag:s17] =	ssyncadd.s32 $0xFFFF8000  }
0xdd: {  	s0 =	sshrl.u32 s0, $0x3;
	s23 =	rddreg [dreg:$0x0]  }
0xde: {  	s21 =	simm.s32 $0x0;
	s0 =	sadd.s32 s23, s0  }
0xdf: {  	[tilespmem:s21], [sflag:$0x1] =	stream.strided.gather [hbm4b:s0+s13], $0x800, s14, s13, $0x38;
	[tilespmem:$0x135A0] =	vst v63  }
0xe0: {  	s6 =	simm.s32 $0x800;
	s1 =	sadd.s32 $0x640, s0  }
0xe1: {  	[tilespmem:s6], [sflag:$0x1] =	stream.strided.gather [hbm4b:s1+s13], $0x800, s14, s13, $0x38;
	[tilespmem:$0x135A0] =	vst v63  }
0xe2: {  	s25 =	simm.s32 $0x1000;
	s24 =	sadd.s32 $0xC80, s0  }
0xe3: {  	[tilespmem:s25], [sflag:$0x1] =	stream.strided.gather [hbm4b:s24+s13], $0x800, s14, s13, $0x38;
	[tilespmem:$0x135A0] =	vst v63  }
0xe4: {  	s28 =	simm.s32 $0x1800;
	s26 =	sadd.s32 $0x12C0, s0  }
0xe5: {  	[tilespmem:s28], [sflag:$0x1] =	stream.strided.gather [hbm4b:s26+s13], $0x800, s14, s13, $0x38;
	[tilespmem:$0x135A0] =	vst v63  }
0xe6: {  	s12 =	simm.s32 $0x2000;
	s10 =	sadd.s32 $0x1900, s0  }
0xe7: {  	[tilespmem:s12], [sflag:$0x1] =	stream.strided.gather [hbm4b:s10+s13], $0x800, s14, s13, $0x38;
	[tilespmem:$0x135A0] =	vst v63  }
0xe8: {  	s16 =	simm.s32 $0x2800;
	s15 =	sadd.s32 $0x1F40, s0  }
0xe9: {  	[tilespmem:s16], [sflag:$0x1] =	stream.strided.gather [hbm4b:s15+s13], $0x800, s14, s13, $0x38;
	[tilespmem:$0x135A0] =	vst v63  }
0xea: {  	s23 =	simm.s32 $0x3000;
	s22 =	sadd.s32 $0x2580, s0  }
0xeb: {  	[tilespmem:s23], [sflag:$0x1] =	stream.strided.gather [hbm4b:s22+s13], $0x800, s14, s13, $0x38;
	[tilespmem:$0x135A0] =	vst v63  }
0xec: {  	s24 =	sadd.s32 $0x2BC0, s0;
	s25 =	simm.s32 $0x3800  }
0xed: {  	[tilespmem:s25], [sflag:$0x1] =	stream.strided.gather [hbm4b:s24+s13], $0x800, s14, s13, $0x38;
	[tilespmem:$0x135A0] =	vst v63  }
0xee: {  	s26 =	sadd.s32 $0x3200, s0;
	s28 =	simm.s32 $0x4000  }
0xef: {  	[tilespmem:s28], [sflag:$0x1] =	stream.strided.gather [hbm4b:s26+s13], $0x800, s14, s13, $0x38;
	[tilespmem:$0x135A0] =	vst v63  }
0xf0: {  	s6 =	sadd.s32 $0x3840, s0;
	s10 =	simm.s32 $0x4800  }
0xf1: {  	[tilespmem:s10], [sflag:$0x1] =	stream.strided.gather [hbm4b:s6+s13], $0x800, s14, s13, $0x38;
	[tilespmem:$0x135A0] =	vst v63  }
0xf2: {  	s12 =	sadd.s32 $0x3E80, s0;
	s15 =	simm.s32 $0x5000  }
0xf3: {  	[tilespmem:s15], [sflag:$0x1] =	stream.strided.gather [hbm4b:s12+s13], $0x800, s14, s13, $0x38;
	[tilespmem:$0x135A0] =	vst v63  }
0xf4: {  	s16 =	sadd.s32 $0x44C0, s0;
	s22 =	simm.s32 $0x5800  }
0xf5: {  	[tilespmem:s22], [sflag:$0x1] =	stream.strided.gather [hbm4b:s16+s13], $0x800, s14, s13, $0x38;
	[tilespmem:$0x135A0] =	vst v63  }
0xf6: {  	s23 =	sadd.s32 $0x4B00, s0;
	s24 =	simm.s32 $0x6000  }
0xf7: {  	[tilespmem:s24], [sflag:$0x1] =	stream.strided.gather [hbm4b:s23+s13], $0x800, s14, s13, $0x38;
	[tilespmem:$0x135A0] =	vst v63  }
0xf8: {  	s25 =	sadd.s32 $0x5140, s0;
	s26 =	simm.s32 $0x6800  }
0xf9: {  	[tilespmem:s26], [sflag:$0x1] =	stream.strided.gather [hbm4b:s25+s13], $0x800, s14, s13, $0x38;
	[tilespmem:$0x135A0] =	vst v63  }
.Ltmp17:
0xfa: {  	_ = 	snop;
	(pc) =	sbr.rel .LBB2_17-.Ltmp17, $4  }
0xfb: {  	s28 =	sadd.s32 $0x5780, s0  }
0xfc: {  	[tilespmem:s29], [sflag:$0x1] =	stream.strided.gather [hbm4b:s28+s13], $0x800, s14, s13, $0x38;
	[tilespmem:$0x135A0] =	vst v63  }
0xfd: {  	s2 =	sadd.s32 $0x8040, s2;
	s0 =	sadd.s32 $0x5DC0, s0  }
0xfe: {  	[tilespmem:s30], [sflag:$0x1] =	stream.strided.gather [hbm4b:s0+s13], $0x800, s14, s13, $0x38;
	[tilespmem:$0x135A0] =	vst v63  }
.LBB2_29:
0xff: {  	s21 =	sadd.s32 $0x1, s21  }
0x100: {  	p0 =	sne.s32 s21, $0x7  }
.Ltmp18:
0x101: {  	_ = 	snop;
	(pc) =	sbr.rel @!p0 .LBB2_30-.Ltmp18, $1  }
0x102: {  	_ =	sdelay $0x3  }
.LBB2_17:
0x103: {  	_ =	sdelay $0x3  }
0x104: {  	v2 =	vld.idx.msk [tilespmem:v0+s21+$0x0 ss:$0x1], $0xffff  }
0x105: {  	v3 =	vld.idx.msk [tilespmem:v0+s21+$0x7 ss:$0x1], $0xffff;
	_ =	sdelay $0x3  }
0x106: {  	(v2sf) =	vpush v2, $0x0  }
0x107: {  	(v2sf) =	vpush v3, $0x0;
	_ =	sdelay $0xc  }
.Ltmp19:
0x108: {  	_ = 	snop;
	(pc) =	sbr.rel .LBB2_18-.Ltmp19, $4  }
0x109: {  	s22 =	smul.u32 $0x7, s21;
	s0 =	spop (v2sf)  }
0x10a: {  	s23 =	simm.s32 $0x0;
	s6 =	sshll.u32 s0, $0xD;
	s28 =	spop (v2sf)  }
0x10b: {  	s1 =	ssub.s32 s0, s3;
	s6 =	sshra.s32 s6, $0x2;
	s0 =	ssub.s32 s28, s3  }
0x10c: {  	s10 =	sadd.s32 s6, s2;
	p0 =	sge.s32 s1, s0;
	p1 =	sle.s32 s0, s1  }
.LBB2_28:
0x10d: {  	p2 =	sle.s32 s24, s15;
	s6 =	sadd.s32 s22, s23  }
0x10e: {  	p2 =	por p1, p2;
	s6 =	sshll.u32 s6, $0x8  }
0x10f: {  	v9 =	vpsel p2, $0x0, v9;
	s6 =	sand.u32 $0x3FFFFF00, s6  }
0x110: {  	v8 =	vpsel p2, $0x0, v8;
	[tilespmem:s6+$0x10520] =	vst v9  }
0x111: {  	s23 =	sadd.s32 $0x1, s23;
	v7 =	vpsel p2, $0x0, v7;
	v4 =	vpsel p2, $0x0, v4;
	v62 =	vpsel p2, $0x0, v6;
	[tilespmem:s6+$0x10530] =	vst v8  }
0x112: {  	v63 =	vpsel p2, $0x0, v5;
	v3 =	vpsel p2, $0x0, v3;
	v2 =	vpsel p2, $0x0, v2;
	p2 =	sne.s32 s23, $0x7;
	[tilespmem:s6+$0x10540] =	vst v7  }
.Ltmp20:
0x113: {  	[tilespmem:s6+$0x10550] =	vst v4;
	(pc) =	sbr.rel @!p2 .LBB2_29-.Ltmp20, $4  }
0x114: {  	[tilespmem:s6+$0x10560] =	vst v62  }
0x115: {  	[tilespmem:s6+$0x10570] =	vst v63  }
0x116: {  	[tilespmem:s6+$0x10580] =	vst v3  }
0x117: {  	[tilespmem:s6+$0x10590] =	vst v2  }
.LBB2_18:
0x118: {  	_ =	sdelay $0x3  }
0x119: {  	v2 =	vld.idx.msk [tilespmem:v1+s23+$0x0 ss:$0x1], $0xffff  }
0x11a: {  	v3 =	vld.idx.msk [tilespmem:v1+s23+$0x7 ss:$0x1], $0xffff;
	_ =	sdelay $0x3  }
0x11b: {  	(v2sf) =	vpush v2, $0x0  }
0x11c: {  	(v2sf) =	vpush v3, $0x0;
	_ =	sdelay $0xb  }
.Ltmp21:
0x11d: {  	_ = 	snop;
	(pc) =	sbr.rel @p0 .LBB2_28-.Ltmp21, $4  }
0x11e: {  	_ = 	snop  }
0x11f: {  	v9 =	vimm.f32 $-1.000000020e+30;
	v8 =	vimm.f32 $-1.000000020e+30;
	s6 =	spop (v2sf)  }
0x120: {  	v7 =	vimm.f32 $-1.000000020e+30;
	v4 =	vimm.f32 $-1.000000020e+30;
	v6 =	vimm.f32 $-1.000000020e+30;
	s12 =	spop (v2sf)  }
0x121: {  	v5 =	vimm.f32 $-1.000000020e+30;
	v2 =	vimm.f32 $-1.000000020e+30;
	v3 =	vimm.f32 $-1.000000020e+30;
	s15 =	ssub.s32 s6, s20;
	s24 =	ssub.s32 s12, s20  }
.Ltmp22:
0x122: {  	(pc) =	sbr.rel .LBB2_20-.Ltmp22, $4  }
0x123: {  	_ = 	snop  }
0x124: {  	s16 =	sshll.u32 s6, $0x9;
	v2 =	vimm.f32 $-1.000000020e+30;
	v3 =	vimm.f32 $-1.000000020e+30  }
0x125: {  	v5 =	vimm.f32 $-1.000000020e+30;
	v6 =	vimm.f32 $-1.000000020e+30;
	v4 =	vimm.f32 $-1.000000020e+30;
	s12 =	ssub.s32 s12, s6;
	s16 =	sshra.s32 s16, $0x2  }
0x126: {  	p2 =	sge.s32 s15, s24;
	v7 =	vimm.f32 $-1.000000020e+30;
	v8 =	vimm.f32 $-1.000000020e+30;
	v9 =	vimm.f32 $-1.000000020e+30;
	s25 =	sadd.s32 s16, s10;
	s16 =	smov.u32 s1  }
.LBB2_22:
0x127: {  	s26 =	smov.u32 s25;
	v14 =	vmovc v6;
	v16 =	vmov v5;
	v17 =	vmov v3;
	v18 =	vmov v9  }
.LBB2_26:
0x128: {  	v19 =	vld [tilespmem:s26+$0xFFFFFFD0]  }
0x129: {  	v20 =	vld [tilespmem:s26+$0xFFFFFFE0]  }
0x12a: {  	v21 =	vld [tilespmem:s26+$0xFFFFFFF0]  }
0x12b: {  	v22 =	vld [tilespmem:s26+$0x0]  }
0x12c: {  	v23 =	vld [tilespmem:s26+$0x10]  }
0x12d: {  	v24 =	vld [tilespmem:s26+$0x20]  }
0x12e: {  	v11 =	vmax.f32 @p3 v14, v11;
	v63 =	vld [tilespmem:s26+$0xFFFFFFC0]  }
0x12f: {  	v12 =	vmax.f32 @p3 v16, v12;
	v13 =	vmax.f32 @p3 v17, v13;
	v15 =	vmax.f32 @p3 v18, v15  }
0x130: {  	v2 =	vmax.f32 v2, v10;
	v6 =	vpsel p3, v11, v6;
	v5 =	vpsel p3, v12, v5  }
0x131: {  	v3 =	vpsel p3, v13, v3;
	v9 =	vpsel p3, v15, v9;
	v8 =	vmax.f32 v8, v19  }
0x132: {  	v7 =	vmax.f32 v7, v20;
	v4 =	vmax.f32 v4, v21;
	v6 =	vmax.f32 v6, v22  }
0x133: {  	v5 =	vmax.f32 v5, v23;
	v3 =	vmax.f32 v3, v24;
	v9 =	vmax.f32 v9, v63  }
.LBB2_27:
0x134: {  	s16 =	sadd.s32 $0x1, s16  }
0x135: {  	p3 =	sne.s32 s16, s0  }
.Ltmp23:
0x136: {  	_ = 	snop;
	(pc) =	sbr.rel @!p3 .LBB2_28-.Ltmp23, $2  }
0x137: {  	_ =	sdelay $0x2  }
0x138: {  	s25 =	sadd.s32 $0x800, s25  }
.LBB2_20:
.Ltmp24:
0x139: {  	(pc) =	sbr.rel @p2 .LBB2_27-.Ltmp24, $1  }
0x13a: {  	_ =	sdelay $0x3  }
0x13b: {  	p4 =	sne.s32 s12, $0x1  }
.Ltmp25:
0x13c: {  	_ = 	snop;
	(pc) =	sbr.rel @!p4 .LBB2_22-.Ltmp25, $2  }
0x13d: {  	_ =	sdelay $0x2  }
0x13e: {  	v10 =	vld [tilespmem:s25+$0x30];
	s6 =	sadd.s32 $0xFFFFFFFF, s12;
	p3 =	por $0x0, $0x0  }
0x13f: {  	v14 =	vld [tilespmem:s25+$0xFFFFFFD0]  }
0x140: {  	v16 =	vld [tilespmem:s25+$0xFFFFFFE0]  }
0x141: {  	v17 =	vld [tilespmem:s25+$0xFFFFFFF0];
	p4 =	sne.s32 s6, $0x1  }
.Ltmp26:
0x142: {  	v11 =	vld [tilespmem:s25+$0x0];
	(pc) =	sbr.rel @!p4 .LBB2_24-.Ltmp26, $4  }
0x143: {  	v12 =	vld [tilespmem:s25+$0x10]  }
0x144: {  	v13 =	vld [tilespmem:s25+$0x20]  }
0x145: {  	v15 =	vld [tilespmem:s25+$0xFFFFFFC0];
	s26 =	sadd.s32 $0x80, s25;
	v18 =	vmov v9;
	v2 =	vmax.f32 v2, v10;
	v8 =	vmax.f32 v8, v14  }
0x146: {  	s6 =	sadd.s32 $0xFFFFFFFF, s6;
	p3 =	por $0x1, $0x1;
	v10 =	vld [tilespmem:s26+$0x30];
	v7 =	vmax.f32 v7, v16;
	v4 =	vmax.f32 v4, v17;
	v14 =	vmovc v6;
	v16 =	vmovc v5;
	v17 =	vmov v3  }
.LBB2_25:
0x147: {  	p4 =	sne.s32 s6, $0x1;
	v19 =	vld [tilespmem:s26+$0xFFFFFFD0];
	v14 =	vmax.f32 v14, v11  }
0x148: {  	v16 =	vmax.f32 v16, v12;
	v20 =	vld [tilespmem:s26+$0xFFFFFFE0]  }
0x149: {  	v17 =	vmax.f32 v17, v13;
	v21 =	vld [tilespmem:s26+$0xFFFFFFF0]  }
.Ltmp27:
0x14a: {  	v18 =	vmax.f32 v18, v15;
	v11 =	vld [tilespmem:s26+$0x0];
	(pc) =	sbr.rel @p4 .LBB2_25-.Ltmp27, $4  }
0x14b: {  	v2 =	vmax.f32 v2, v10;
	v12 =	vld [tilespmem:s26+$0x10]  }
0x14c: {  	v8 =	vmax.f32 v8, v19;
	v13 =	vld [tilespmem:s26+$0x20]  }
0x14d: {  	v15 =	vld [tilespmem:s26+$0xFFFFFFC0];
	v7 =	vmax.f32 v7, v20;
	s26 =	sadd.s32 $0x80, s26  }
0x14e: {  	s6 =	sadd.s32 $0xFFFFFFFF, s6;
	v10 =	vld [tilespmem:s26+$0x30];
	v4 =	vmax.f32 v4, v21  }
.Ltmp28:
0x14f: {  	_ = 	snop;
	(pc) =	sbr.rel .LBB2_26-.Ltmp28, $1  }
0x150: {  	_ =	sdelay $0x3  }
.LBB2_24:
.Ltmp29:
0x151: {  	(pc) =	sbr.rel .LBB2_26-.Ltmp29, $2  }
0x152: {  	_ =	sdelay $0x2  }
0x153: {  	v14 =	vmovc v6;
	v16 =	vmov v5;
	v17 =	vmov v3;
	v18 =	vmov v9  }
.LBB2_32:
0x154: {  	_ =	sfence.sel $0x180000  }
0x155: {  	[bflag:$0x0] =	sbarrier.arrive $0xFFFF  }
0x156: {  	_ =	strace $0x90000047  }
0x157: {  	s0 =	stileid.u32;
	[bflag:$0x2] =	sbarrier.arrive $0xFFFF  }
0x158: {  	p0 =	sne.s32 s0, $0x0;
	s0 =	rddreg [dreg:$0x2]  }
0x159: {  	s0 =	sadd.s32 @!p0 $0x100000, s0  }
0x15a: {  	[sflag:s0] =	ssyncadd.tile.s32 @!p0 $0x1;
	_ =	shalt  }
.Lfunc_end2:
_tile_overlayer_lowered:
.L_overlay_start_2:
0x15b: {  	(tag) =	ssettag $0x2  }
0x15c: {  	s0 =	rddreg [dreg:$0x0];
	s2 =	stileid.u32  }
0x15d: {  	s1 =	rddreg [dreg:$0x1];
	p0 =	sne.s32 s2, $0x0  }
0x15e: {  	s3 =	rddreg [dreg:$0x2];
	[bflag:$0x3] =	sbarrier.arrive $0xFFFF;
	s2 =	simm.s32 @!p0 $0x1C03  }
0x15f: {  	[timem:s3], [sflag:s2] =	dma.local @!p0 [hbm:s0], s1  }
0x160: {  	s0 =	simm.s32 @!p0 $0x3  }
0x161: {  	_ =	swait.ge @!p0 [sflag:s0], s1  }
0x162: {  	s1 =	ssub.s32 @!p0 $0x0, s1;
	[sflag:s0] =	ssyncset.done @!p0 $0x0  }
0x163: {  	[sflag:s0] =	ssyncadd.s32 @!p0 s1  }
0x164: {  	[bflag:$0x3] =	sbarrier.arrive $0xFFFF  }
0x165: {  	_ =	shalt  }

</sc_bundles>
